<compile_context>
chip_gen: v7x
topology: tpu7x:2x2x1
jax: 0.10.2.dev20260603
libtpu: 0.0.44.dev20260713+nightly
codegen_flags: <defaults>
</compile_context>

<pallas_src>
import functools

import jax
import jax.numpy as jnp
from jax import lax
from jax.experimental import pallas as pl
from jax.experimental.pallas import tpu as pltpu
from jax.experimental.pallas import tpu_sc as plsc

B, S, V, K = 4, 512, 32000, 1000
R = B * S
L = 16
G = R // L
NW = 32
GPW = G // NW


@functools.cache
def _noise_global_indices():
    noise = jax.random.randint(jax.random.key(42), (B, S, K), 0, V,
                               dtype=jnp.int32).reshape(R, K)
    row_base = (jnp.arange(R, dtype=jnp.int32) * V).reshape(G, L)
    perm = jnp.transpose(noise.reshape(G, L, K), (0, 2, 1))
    return (perm + row_base[:, None, :]).reshape(G, K * L)


def _sc_body(nidx_hbm, tidx_hbm, flat_hbm, a_out, s_out,
             idx_v, tidx_v, tvals_v, vals_v, stage_a, stage_s, sem):
    wid = lax.axis_index("s") * 2 + lax.axis_index("c")
    for gi in range(GPW):
        g = wid * GPW + gi
        pltpu.sync_copy(nidx_hbm.at[g], idx_v)
        pltpu.sync_copy(tidx_hbm.at[pl.ds(g * L, L)], tidx_v)
        pltpu.async_copy(flat_hbm.at[tidx_v], tvals_v, sem).wait()
        pltpu.async_copy(flat_hbm.at[idx_v], vals_v, sem).wait()

        t = tvals_v[...]

        def max_step(j, m):
            return jnp.maximum(m, vals_v[pl.ds(j * L, L)])

        m = lax.fori_loop(0, K, max_step, t)

        def sum_step(j, s):
            return s + jnp.exp(vals_v[pl.ds(j * L, L)] - m)

        s = lax.fori_loop(0, K, sum_step, jnp.exp(t - m))

        stage_a[...] = m - t
        stage_s[...] = s
        pltpu.sync_copy(stage_a, a_out.at[g])
        pltpu.sync_copy(stage_s, s_out.at[g])


@functools.cache
def _sc_gather_lse():
    return pl.kernel(
        _sc_body,
        out_type=(jax.ShapeDtypeStruct((G, L), jnp.float32),
                  jax.ShapeDtypeStruct((G, L), jnp.float32)),
        mesh=plsc.VectorSubcoreMesh(core_axis_name="c", subcore_axis_name="s"),
        scratch_types=[
            pltpu.VMEM((K * L,), jnp.int32),
            pltpu.VMEM((L,), jnp.int32),
            pltpu.VMEM((L,), jnp.float32),
            pltpu.VMEM((K * L,), jnp.float32),
            pltpu.VMEM((L,), jnp.float32),
            pltpu.VMEM((L,), jnp.float32),
            pltpu.SemaphoreType.DMA,
        ],
    )


def _finish_body(a_ref, s_ref, o_ref):
    o_ref[0, 0] = (jnp.sum(a_ref[...]) +
                   jnp.sum(jnp.log(s_ref[...]))) / float(R)


_finish = pl.pallas_call(
    _finish_body,
    out_shape=jax.ShapeDtypeStruct((1, 1), jnp.float32),
    out_specs=pl.BlockSpec(memory_space=pltpu.SMEM),
)


def kernel(output, target):
    flat = output.reshape(-1)
    tidx = (target.reshape(R).astype(jnp.int32)
            + jnp.arange(R, dtype=jnp.int32) * V)
    a, s = _sc_gather_lse()(_noise_global_indices(), tidx, flat)
    return _finish(a, s).reshape(())

# --- scband reference (transcript-rebuilt; emitter-appended) ---
"""Pipeline reference for scband-simple-nceloss-63170378989840 (READ-ONLY COPY).

The authoritative reference and input builder live on the scoring server;
editing this copy changes nothing except your own understanding.
"""

import jax, jax.numpy as jnp
import numpy as np

K = 1000

def setup_inputs(seed: int = 0) -> dict:
    key = jax.random.key(seed)
    k1, k2 = jax.random.split(key)
    B, S, V = 4, 512, 32000
    output = jax.random.normal(k1, (B, S, V), dtype=jnp.float32)
    target = jax.random.randint(k2, (B, S), 0, V, dtype=jnp.int64)
    return {"output": output, "target": target}

def reference(output, target):
    B, S, V = output.shape
    tgt = target.reshape(B, S, 1)
    # noise sampling: torch.randint(0, len(vocab), (B, S, k)) -> fixed-key randint (constant w.r.t. grads)
    noise = jax.random.randint(jax.random.key(42), (B, S, K), 0, V, dtype=jnp.int32)
    target_scores = jnp.take_along_axis(output, tgt.astype(jnp.int32), axis=2)
    noise_scores = jnp.take_along_axis(output, noise, axis=2)
    all_scores = jnp.concatenate((target_scores, noise_scores), axis=2)
    all_probs = jax.nn.softmax(all_scores, axis=2)
    p0 = all_probs[:, :, 0]
    nce_loss = -jnp.log(p0 / (p0 + jnp.sum(all_probs[:, :, 1:], axis=2)))
    return nce_loss.mean()

if __name__ == "__main__":
    import jax
    _d = setup_inputs()
    print(jax.jit(kernel)(*tuple(_d.values())))

</pallas_src>

<mosaic_0001>
#map = affine_map<(d0, d1) -> (0, 0)>
#map1 = affine_map<(d0, d1) -> (0)>
module attributes {stable_mosaic.version = 14 : i64} {
  func.func @_sc_body(%arg0: i32, %arg1: i32, %arg2: memref<128x16000xi32, #tpu.memory_space<hbm>>, %arg3: memref<2048xi32, #tpu.memory_space<hbm>>, %arg4: memref<65536000xf32, #tpu.memory_space<hbm>>, %arg5: memref<128x16xf32, #tpu.memory_space<hbm>>, %arg6: memref<128x16xf32, #tpu.memory_space<hbm>>, %arg7: memref<16000xi32, #tpu.memory_space<vmem>>, %arg8: memref<16xi32, #tpu.memory_space<vmem>>, %arg9: memref<16xf32, #tpu.memory_space<vmem>>, %arg10: memref<16000xf32, #tpu.memory_space<vmem>>, %arg11: memref<16xf32, #tpu.memory_space<vmem>>, %arg12: memref<16xf32, #tpu.memory_space<vmem>>, %arg13: memref<!tpu.dma_semaphore, #tpu.memory_space<semaphore_mem>>) attributes {dimension_semantics = [#tpu.dimension_semantics<core_parallel>, #tpu.dimension_semantics<subcore_parallel>], iteration_bounds = array<i64: 2, 16>, scalar_prefetch = 0 : i64, scratch_operands = 7 : i64, tpu.core_type = #tpu.core_type<sc_vector_subcore>, window_params = [{transform_indices = #map}, {transform_indices = #map1}, {transform_indices = #map1}, {transform_indices = #map}, {transform_indices = #map}]} {
    %mul3A = arith.constant 2 : i32
    %mul3A_0 = arith.muli %arg1, %mul3A : i32
    %add3A = arith.addi %mul3A_0, %arg0 : i32
    %mul3A_1 = arith.constant 4 : i32
    %mul3A_2 = arith.muli %add3A, %mul3A_1 : i32
    %add3A_3 = arith.constant 0 : i32
    %add3A_4 = arith.addi %mul3A_2, %add3A_3 : i32
    "tpu.region"() ({
      %run_scoped3A = tpu.sem_alloc : memref<!tpu.dma_semaphore, #tpu.memory_space<semaphore_mem>>
      %dma_start3A_154 = arith.constant 0 : i32
      %dma_start3A_155 = tpu.memref_slice %arg2[%add3A_4, %dma_start3A_154] : memref<128x16000xi32, #tpu.memory_space<hbm>> -> memref<1x16000xi32, #tpu.memory_space<hbm>>
      %dma_start3A_156 = tpu.memref_squeeze %dma_start3A_155 : memref<1x16000xi32, #tpu.memory_space<hbm>> -> memref<16000xi32, #tpu.memory_space<hbm>>
      %dma_start3A_157 = arith.constant 0 : i32
      %dma_start3A_158 = tpu.memref_slice %arg2[%add3A_4, %dma_start3A_157] : memref<128x16000xi32, #tpu.memory_space<hbm>> -> memref<1x16000xi32, #tpu.memory_space<hbm>>
      %dma_start3A_159 = tpu.memref_squeeze %dma_start3A_158 : memref<1x16000xi32, #tpu.memory_space<hbm>> -> memref<16000xi32, #tpu.memory_space<hbm>>
      tpu.enqueue_dma source(%dma_start3A_159 : memref<16000xi32, #tpu.memory_space<hbm>>) target(%arg7 : memref<16000xi32, #tpu.memory_space<vmem>>) target_semaphore(%run_scoped3A : memref<!tpu.dma_semaphore, #tpu.memory_space<semaphore_mem>>)
      %dma_wait3A_160 = arith.constant 0 : i32
      %dma_wait3A_161 = tpu.memref_slice %arg2[%add3A_4, %dma_wait3A_160] : memref<128x16000xi32, #tpu.memory_space<hbm>> -> memref<1x16000xi32, #tpu.memory_space<hbm>>
      %dma_wait3A_162 = tpu.memref_squeeze %dma_wait3A_161 : memref<1x16000xi32, #tpu.memory_space<hbm>> -> memref<16000xi32, #tpu.memory_space<hbm>>
      %dma_wait3A_163 = arith.constant 0 : i32
      %dma_wait3A_164 = tpu.memref_slice %arg2[%add3A_4, %dma_wait3A_163] : memref<128x16000xi32, #tpu.memory_space<hbm>> -> memref<1x16000xi32, #tpu.memory_space<hbm>>
      %dma_wait3A_165 = tpu.memref_squeeze %dma_wait3A_164 : memref<1x16000xi32, #tpu.memory_space<hbm>> -> memref<16000xi32, #tpu.memory_space<hbm>>
      tpu.wait_dma2 semaphore(%run_scoped3A : memref<!tpu.dma_semaphore, #tpu.memory_space<semaphore_mem>>) src(%dma_wait3A_165 : memref<16000xi32, #tpu.memory_space<hbm>>) dst(%arg7 : memref<16000xi32, #tpu.memory_space<vmem>>)
      tpu.yield
    }) : () -> ()
    %mul3A_5 = arith.constant 16 : i32
    %mul3A_6 = arith.muli %add3A_4, %mul3A_5 : i32
    "tpu.region"() ({
      %run_scoped3A = tpu.sem_alloc : memref<!tpu.dma_semaphore, #tpu.memory_space<semaphore_mem>>
      %dma_start3A_154 = tpu.memref_slice %arg3[%mul3A_6] : memref<2048xi32, #tpu.memory_space<hbm>> -> memref<16xi32, #tpu.memory_space<hbm>>
      %dma_start3A_155 = tpu.memref_slice %arg3[%mul3A_6] : memref<2048xi32, #tpu.memory_space<hbm>> -> memref<16xi32, #tpu.memory_space<hbm>>
      tpu.enqueue_dma source(%dma_start3A_155 : memref<16xi32, #tpu.memory_space<hbm>>) target(%arg8 : memref<16xi32, #tpu.memory_space<vmem>>) target_semaphore(%run_scoped3A : memref<!tpu.dma_semaphore, #tpu.memory_space<semaphore_mem>>)
      %dma_wait3A_156 = tpu.memref_slice %arg3[%mul3A_6] : memref<2048xi32, #tpu.memory_space<hbm>> -> memref<16xi32, #tpu.memory_space<hbm>>
      %dma_wait3A_157 = tpu.memref_slice %arg3[%mul3A_6] : memref<2048xi32, #tpu.memory_space<hbm>> -> memref<16xi32, #tpu.memory_space<hbm>>
      tpu.wait_dma2 semaphore(%run_scoped3A : memref<!tpu.dma_semaphore, #tpu.memory_space<semaphore_mem>>) src(%dma_wait3A_157 : memref<16xi32, #tpu.memory_space<hbm>>) dst(%arg8 : memref<16xi32, #tpu.memory_space<vmem>>)
      tpu.yield
    }) : () -> ()
    %dma_start3A = arith.constant 0 : i32
    %dma_start3A_7 = tpu.memref_slice %arg4[%dma_start3A] : memref<65536000xf32, #tpu.memory_space<hbm>> -> memref<65536000xf32, #tpu.memory_space<hbm>>
    tpu.enqueue_indirect_dma source(%dma_start3A_7 : memref<65536000xf32, #tpu.memory_space<hbm>>) target(%arg9 : memref<16xf32, #tpu.memory_space<vmem>>) offsets(%arg8 : memref<16xi32, #tpu.memory_space<vmem>>) semaphore(%arg13 : memref<!tpu.dma_semaphore, #tpu.memory_space<semaphore_mem>>)
    %dma_wait3A = arith.constant 0 : i32
    %dma_wait3A_8 = tpu.memref_slice %arg4[%dma_wait3A] : memref<65536000xf32, #tpu.memory_space<hbm>> -> memref<65536000xf32, #tpu.memory_space<hbm>>
    tpu.wait_indirect_dma semaphore(%arg13 : memref<!tpu.dma_semaphore, #tpu.memory_space<semaphore_mem>>) src(%dma_wait3A_8 : memref<65536000xf32, #tpu.memory_space<hbm>>) dst(%arg9 : memref<16xf32, #tpu.memory_space<vmem>>)
    %dma_start3A_9 = arith.constant 0 : i32
    %dma_start3A_10 = tpu.memref_slice %arg4[%dma_start3A_9] : memref<65536000xf32, #tpu.memory_space<hbm>> -> memref<65536000xf32, #tpu.memory_space<hbm>>
    tpu.enqueue_indirect_dma source(%dma_start3A_10 : memref<65536000xf32, #tpu.memory_space<hbm>>) target(%arg10 : memref<16000xf32, #tpu.memory_space<vmem>>) offsets(%arg7 : memref<16000xi32, #tpu.memory_space<vmem>>) semaphore(%arg13 : memref<!tpu.dma_semaphore, #tpu.memory_space<semaphore_mem>>)
    %dma_wait3A_11 = arith.constant 0 : i32
    %dma_wait3A_12 = tpu.memref_slice %arg4[%dma_wait3A_11] : memref<65536000xf32, #tpu.memory_space<hbm>> -> memref<65536000xf32, #tpu.memory_space<hbm>>
    tpu.wait_indirect_dma semaphore(%arg13 : memref<!tpu.dma_semaphore, #tpu.memory_space<semaphore_mem>>) src(%dma_wait3A_12 : memref<65536000xf32, #tpu.memory_space<hbm>>) dst(%arg10 : memref<16000xf32, #tpu.memory_space<vmem>>)
    %get3A = arith.constant 0 : index
    %get3A_13 = tpu.vector_load %arg9[%get3A] {strides = array<i32>} : memref<16xf32, #tpu.memory_space<vmem>>, vector<16xf32>,
    %get3A_14 = vector.shape_cast %get3A_13 : vector<16xf32> to vector<16xf32>
    %scan3A = arith.constant 0 : i32
    %scan3A_15 = arith.constant 1000 : i32
    %scan3A_16 = arith.addi %scan3A, %scan3A_15 : i32
    %scan3A_17 = arith.constant 1 : i32
    %scan3A_18 = scf.for %scan3A_154 = %scan3A to %scan3A_16 step %scan3A_17 iter_args(%scan3A_155 = %get3A_14) -> (vector<16xf32>)  : i32 {
      %mul3A_156 = arith.constant 16 : i32
      %mul3A_157 = arith.muli %scan3A_154, %mul3A_156 : i32
      %get3A_158 = arith.index_cast %mul3A_157 : i32 to index
      %get3A_159 = tpu.vector_load %arg10[%get3A_158] {strides = array<i32>} : memref<16000xf32, #tpu.memory_space<vmem>>, vector<16xf32>,
      %get3A_160 = vector.shape_cast %get3A_159 : vector<16xf32> to vector<16xf32>
      %max3A = arith.maximumf %scan3A_155, %get3A_160 : vector<16xf32>
      scf.yield %max3A : vector<16xf32>
    }
    %scan3A_19 = arith.constant 1000 : i32
    %sub3A = arith.subf %get3A_14, %scan3A_18 : vector<16xf32>
    %exp3A = math.exp %sub3A : vector<16xf32>
    %scan3A_20 = arith.constant 0 : i32
    %scan3A_21 = arith.constant 1000 : i32
    %scan3A_22 = arith.addi %scan3A_20, %scan3A_21 : i32
    %scan3A_23 = arith.constant 1 : i32
    %scan3A_24 = scf.for %scan3A_154 = %scan3A_20 to %scan3A_22 step %scan3A_23 iter_args(%scan3A_155 = %exp3A) -> (vector<16xf32>)  : i32 {
      %mul3A_156 = arith.constant 16 : i32
      %mul3A_157 = arith.muli %scan3A_154, %mul3A_156 : i32
      %get3A_158 = arith.index_cast %mul3A_157 : i32 to index
      %get3A_159 = tpu.vector_load %arg10[%get3A_158] {strides = array<i32>} : memref<16000xf32, #tpu.memory_space<vmem>>, vector<16xf32>,
      %get3A_160 = vector.shape_cast %get3A_159 : vector<16xf32> to vector<16xf32>
      %sub3A_161 = arith.subf %get3A_160, %scan3A_18 : vector<16xf32>
      %exp3A_162 = math.exp %sub3A_161 : vector<16xf32>
      %add3A_163 = arith.addf %scan3A_155, %exp3A_162 : vector<16xf32>
      scf.yield %add3A_163 : vector<16xf32>
    }
    %scan3A_25 = arith.constant 1000 : i32
    %sub3A_26 = arith.subf %scan3A_18, %get3A_14 : vector<16xf32>
    %swap3A = arith.constant 0 : index
    %swap3A_27 = tpu.vector_load %arg11[%swap3A] {strides = array<i32>} : memref<16xf32, #tpu.memory_space<vmem>>, vector<16xf32>,
    %swap3A_28 = vector.shape_cast %swap3A_27 : vector<16xf32> to vector<16xf32>
    %swap3A_29 = vector.shape_cast %sub3A_26 : vector<16xf32> to vector<16xf32>
    tpu.vector_store %arg11[%swap3A], %swap3A_29 {strides = array<i32>} : memref<16xf32, #tpu.memory_space<vmem>>, vector<16xf32>,
    %swap3A_30 = arith.constant 0 : index
    %swap3A_31 = tpu.vector_load %arg12[%swap3A_30] {strides = array<i32>} : memref<16xf32, #tpu.memory_space<vmem>>, vector<16xf32>,
    %swap3A_32 = vector.shape_cast %swap3A_31 : vector<16xf32> to vector<16xf32>
    %swap3A_33 = vector.shape_cast %scan3A_24 : vector<16xf32> to vector<16xf32>
    tpu.vector_store %arg12[%swap3A_30], %swap3A_33 {strides = array<i32>} : memref<16xf32, #tpu.memory_space<vmem>>, vector<16xf32>,
    "tpu.region"() ({
      %run_scoped3A = tpu.sem_alloc : memref<!tpu.dma_semaphore, #tpu.memory_space<semaphore_mem>>
      %dma_start3A_154 = arith.constant 0 : i32
      %dma_start3A_155 = tpu.memref_slice %arg5[%add3A_4, %dma_start3A_154] : memref<128x16xf32, #tpu.memory_space<hbm>> -> memref<1x16xf32, #tpu.memory_space<hbm>>
      %dma_start3A_156 = tpu.memref_squeeze %dma_start3A_155 : memref<1x16xf32, #tpu.memory_space<hbm>> -> memref<16xf32, #tpu.memory_space<hbm>>
      %dma_start3A_157 = arith.constant 0 : i32
      %dma_start3A_158 = tpu.memref_slice %arg5[%add3A_4, %dma_start3A_157] : memref<128x16xf32, #tpu.memory_space<hbm>> -> memref<1x16xf32, #tpu.memory_space<hbm>>
      %dma_start3A_159 = tpu.memref_squeeze %dma_start3A_158 : memref<1x16xf32, #tpu.memory_space<hbm>> -> memref<16xf32, #tpu.memory_space<hbm>>
      tpu.enqueue_dma source(%arg11 : memref<16xf32, #tpu.memory_space<vmem>>) target(%dma_start3A_159 : memref<16xf32, #tpu.memory_space<hbm>>) target_semaphore(%run_scoped3A : memref<!tpu.dma_semaphore, #tpu.memory_space<semaphore_mem>>)
      %dma_wait3A_160 = arith.constant 0 : i32
      %dma_wait3A_161 = tpu.memref_slice %arg5[%add3A_4, %dma_wait3A_160] : memref<128x16xf32, #tpu.memory_space<hbm>> -> memref<1x16xf32, #tpu.memory_space<hbm>>
      %dma_wait3A_162 = tpu.memref_squeeze %dma_wait3A_161 : memref<1x16xf32, #tpu.memory_space<hbm>> -> memref<16xf32, #tpu.memory_space<hbm>>
      %dma_wait3A_163 = arith.constant 0 : i32
      %dma_wait3A_164 = tpu.memref_slice %arg5[%add3A_4, %dma_wait3A_163] : memref<128x16xf32, #tpu.memory_space<hbm>> -> memref<1x16xf32, #tpu.memory_space<hbm>>
      %dma_wait3A_165 = tpu.memref_squeeze %dma_wait3A_164 : memref<1x16xf32, #tpu.memory_space<hbm>> -> memref<16xf32, #tpu.memory_space<hbm>>
      tpu.wait_dma2 semaphore(%run_scoped3A : memref<!tpu.dma_semaphore, #tpu.memory_space<semaphore_mem>>) src(%arg11 : memref<16xf32, #tpu.memory_space<vmem>>) dst(%dma_wait3A_165 : memref<16xf32, #tpu.memory_space<hbm>>)
      tpu.yield
    }) : () -> ()
    "tpu.region"() ({
      %run_scoped3A = tpu.sem_alloc : memref<!tpu.dma_semaphore, #tpu.memory_space<semaphore_mem>>
      %dma_start3A_154 = arith.constant 0 : i32
      %dma_start3A_155 = tpu.memref_slice %arg6[%add3A_4, %dma_start3A_154] : memref<128x16xf32, #tpu.memory_space<hbm>> -> memref<1x16xf32, #tpu.memory_space<hbm>>
      %dma_start3A_156 = tpu.memref_squeeze %dma_start3A_155 : memref<1x16xf32, #tpu.memory_space<hbm>> -> memref<16xf32, #tpu.memory_space<hbm>>
      %dma_start3A_157 = arith.constant 0 : i32
      %dma_start3A_158 = tpu.memref_slice %arg6[%add3A_4, %dma_start3A_157] : memref<128x16xf32, #tpu.memory_space<hbm>> -> memref<1x16xf32, #tpu.memory_space<hbm>>
      %dma_start3A_159 = tpu.memref_squeeze %dma_start3A_158 : memref<1x16xf32, #tpu.memory_space<hbm>> -> memref<16xf32, #tpu.memory_space<hbm>>
      tpu.enqueue_dma source(%arg12 : memref<16xf32, #tpu.memory_space<vmem>>) target(%dma_start3A_159 : memref<16xf32, #tpu.memory_space<hbm>>) target_semaphore(%run_scoped3A : memref<!tpu.dma_semaphore, #tpu.memory_space<semaphore_mem>>)
      %dma_wait3A_160 = arith.constant 0 : i32
      %dma_wait3A_161 = tpu.memref_slice %arg6[%add3A_4, %dma_wait3A_160] : memref<128x16xf32, #tpu.memory_space<hbm>> -> memref<1x16xf32, #tpu.memory_space<hbm>>
      %dma_wait3A_162 = tpu.memref_squeeze %dma_wait3A_161 : memref<1x16xf32, #tpu.memory_space<hbm>> -> memref<16xf32, #tpu.memory_space<hbm>>
      %dma_wait3A_163 = arith.constant 0 : i32
      %dma_wait3A_164 = tpu.memref_slice %arg6[%add3A_4, %dma_wait3A_163] : memref<128x16xf32, #tpu.memory_space<hbm>> -> memref<1x16xf32, #tpu.memory_space<hbm>>
      %dma_wait3A_165 = tpu.memref_squeeze %dma_wait3A_164 : memref<1x16xf32, #tpu.memory_space<hbm>> -> memref<16xf32, #tpu.memory_space<hbm>>
      tpu.wait_dma2 semaphore(%run_scoped3A : memref<!tpu.dma_semaphore, #tpu.memory_space<semaphore_mem>>) src(%arg12 : memref<16xf32, #tpu.memory_space<vmem>>) dst(%dma_wait3A_165 : memref<16xf32, #tpu.memory_space<hbm>>)
      tpu.yield
    }) : () -> ()
    %mul3A_34 = arith.constant 4 : i32
    %mul3A_35 = arith.muli %add3A, %mul3A_34 : i32
    %add3A_36 = arith.constant 1 : i32
    %add3A_37 = arith.addi %mul3A_35, %add3A_36 : i32
    "tpu.region"() ({
      %run_scoped3A = tpu.sem_alloc : memref<!tpu.dma_semaphore, #tpu.memory_space<semaphore_mem>>
      %dma_start3A_154 = arith.constant 0 : i32
      %dma_start3A_155 = tpu.memref_slice %arg2[%add3A_37, %dma_start3A_154] : memref<128x16000xi32, #tpu.memory_space<hbm>> -> memref<1x16000xi32, #tpu.memory_space<hbm>>
      %dma_start3A_156 = tpu.memref_squeeze %dma_start3A_155 : memref<1x16000xi32, #tpu.memory_space<hbm>> -> memref<16000xi32, #tpu.memory_space<hbm>>
      %dma_start3A_157 = arith.constant 0 : i32
      %dma_start3A_158 = tpu.memref_slice %arg2[%add3A_37, %dma_start3A_157] : memref<128x16000xi32, #tpu.memory_space<hbm>> -> memref<1x16000xi32, #tpu.memory_space<hbm>>
      %dma_start3A_159 = tpu.memref_squeeze %dma_start3A_158 : memref<1x16000xi32, #tpu.memory_space<hbm>> -> memref<16000xi32, #tpu.memory_space<hbm>>
      tpu.enqueue_dma source(%dma_start3A_159 : memref<16000xi32, #tpu.memory_space<hbm>>) target(%arg7 : memref<16000xi32, #tpu.memory_space<vmem>>) target_semaphore(%run_scoped3A : memref<!tpu.dma_semaphore, #tpu.memory_space<semaphore_mem>>)
      %dma_wait3A_160 = arith.constant 0 : i32
      %dma_wait3A_161 = tpu.memref_slice %arg2[%add3A_37, %dma_wait3A_160] : memref<128x16000xi32, #tpu.memory_space<hbm>> -> memref<1x16000xi32, #tpu.memory_space<hbm>>
      %dma_wait3A_162 = tpu.memref_squeeze %dma_wait3A_161 : memref<1x16000xi32, #tpu.memory_space<hbm>> -> memref<16000xi32, #tpu.memory_space<hbm>>
      %dma_wait3A_163 = arith.constant 0 : i32
      %dma_wait3A_164 = tpu.memref_slice %arg2[%add3A_37, %dma_wait3A_163] : memref<128x16000xi32, #tpu.memory_space<hbm>> -> memref<1x16000xi32, #tpu.memory_space<hbm>>
      %dma_wait3A_165 = tpu.memref_squeeze %dma_wait3A_164 : memref<1x16000xi32, #tpu.memory_space<hbm>> -> memref<16000xi32, #tpu.memory_space<hbm>>
      tpu.wait_dma2 semaphore(%run_scoped3A : memref<!tpu.dma_semaphore, #tpu.memory_space<semaphore_mem>>) src(%dma_wait3A_165 : memref<16000xi32, #tpu.memory_space<hbm>>) dst(%arg7 : memref<16000xi32, #tpu.memory_space<vmem>>)
      tpu.yield
    }) : () -> ()
    %mul3A_38 = arith.constant 16 : i32
    %mul3A_39 = arith.muli %add3A_37, %mul3A_38 : i32
    "tpu.region"() ({
      %run_scoped3A = tpu.sem_alloc : memref<!tpu.dma_semaphore, #tpu.memory_space<semaphore_mem>>
      %dma_start3A_154 = tpu.memref_slice %arg3[%mul3A_39] : memref<2048xi32, #tpu.memory_space<hbm>> -> memref<16xi32, #tpu.memory_space<hbm>>
      %dma_start3A_155 = tpu.memref_slice %arg3[%mul3A_39] : memref<2048xi32, #tpu.memory_space<hbm>> -> memref<16xi32, #tpu.memory_space<hbm>>
      tpu.enqueue_dma source(%dma_start3A_155 : memref<16xi32, #tpu.memory_space<hbm>>) target(%arg8 : memref<16xi32, #tpu.memory_space<vmem>>) target_semaphore(%run_scoped3A : memref<!tpu.dma_semaphore, #tpu.memory_space<semaphore_mem>>)
      %dma_wait3A_156 = tpu.memref_slice %arg3[%mul3A_39] : memref<2048xi32, #tpu.memory_space<hbm>> -> memref<16xi32, #tpu.memory_space<hbm>>
      %dma_wait3A_157 = tpu.memref_slice %arg3[%mul3A_39] : memref<2048xi32, #tpu.memory_space<hbm>> -> memref<16xi32, #tpu.memory_space<hbm>>
      tpu.wait_dma2 semaphore(%run_scoped3A : memref<!tpu.dma_semaphore, #tpu.memory_space<semaphore_mem>>) src(%dma_wait3A_157 : memref<16xi32, #tpu.memory_space<hbm>>) dst(%arg8 : memref<16xi32, #tpu.memory_space<vmem>>)
      tpu.yield
    }) : () -> ()
    %dma_start3A_40 = arith.constant 0 : i32
    %dma_start3A_41 = tpu.memref_slice %arg4[%dma_start3A_40] : memref<65536000xf32, #tpu.memory_space<hbm>> -> memref<65536000xf32, #tpu.memory_space<hbm>>
    tpu.enqueue_indirect_dma source(%dma_start3A_41 : memref<65536000xf32, #tpu.memory_space<hbm>>) target(%arg9 : memref<16xf32, #tpu.memory_space<vmem>>) offsets(%arg8 : memref<16xi32, #tpu.memory_space<vmem>>) semaphore(%arg13 : memref<!tpu.dma_semaphore, #tpu.memory_space<semaphore_mem>>)
    %dma_wait3A_42 = arith.constant 0 : i32
    %dma_wait3A_43 = tpu.memref_slice %arg4[%dma_wait3A_42] : memref<65536000xf32, #tpu.memory_space<hbm>> -> memref<65536000xf32, #tpu.memory_space<hbm>>
    tpu.wait_indirect_dma semaphore(%arg13 : memref<!tpu.dma_semaphore, #tpu.memory_space<semaphore_mem>>) src(%dma_wait3A_43 : memref<65536000xf32, #tpu.memory_space<hbm>>) dst(%arg9 : memref<16xf32, #tpu.memory_space<vmem>>)
    %dma_start3A_44 = arith.constant 0 : i32
    %dma_start3A_45 = tpu.memref_slice %arg4[%dma_start3A_44] : memref<65536000xf32, #tpu.memory_space<hbm>> -> memref<65536000xf32, #tpu.memory_space<hbm>>
    tpu.enqueue_indirect_dma source(%dma_start3A_45 : memref<65536000xf32, #tpu.memory_space<hbm>>) target(%arg10 : memref<16000xf32, #tpu.memory_space<vmem>>) offsets(%arg7 : memref<16000xi32, #tpu.memory_space<vmem>>) semaphore(%arg13 : memref<!tpu.dma_semaphore, #tpu.memory_space<semaphore_mem>>)
    %dma_wait3A_46 = arith.constant 0 : i32
    %dma_wait3A_47 = tpu.memref_slice %arg4[%dma_wait3A_46] : memref<65536000xf32, #tpu.memory_space<hbm>> -> memref<65536000xf32, #tpu.memory_space<hbm>>
    tpu.wait_indirect_dma semaphore(%arg13 : memref<!tpu.dma_semaphore, #tpu.memory_space<semaphore_mem>>) src(%dma_wait3A_47 : memref<65536000xf32, #tpu.memory_space<hbm>>) dst(%arg10 : memref<16000xf32, #tpu.memory_space<vmem>>)
    %get3A_48 = arith.constant 0 : index
    %get3A_49 = tpu.vector_load %arg9[%get3A_48] {strides = array<i32>} : memref<16xf32, #tpu.memory_space<vmem>>, vector<16xf32>,
    %get3A_50 = vector.shape_cast %get3A_49 : vector<16xf32> to vector<16xf32>
    %scan3A_51 = arith.constant 0 : i32
    %scan3A_52 = arith.constant 1000 : i32
    %scan3A_53 = arith.addi %scan3A_51, %scan3A_52 : i32
    %scan3A_54 = arith.constant 1 : i32
    %scan3A_55 = scf.for %scan3A_154 = %scan3A_51 to %scan3A_53 step %scan3A_54 iter_args(%scan3A_155 = %get3A_50) -> (vector<16xf32>)  : i32 {
      %mul3A_156 = arith.constant 16 : i32
      %mul3A_157 = arith.muli %scan3A_154, %mul3A_156 : i32
      %get3A_158 = arith.index_cast %mul3A_157 : i32 to index
      %get3A_159 = tpu.vector_load %arg10[%get3A_158] {strides = array<i32>} : memref<16000xf32, #tpu.memory_space<vmem>>, vector<16xf32>,
      %get3A_160 = vector.shape_cast %get3A_159 : vector<16xf32> to vector<16xf32>
      %max3A = arith.maximumf %scan3A_155, %get3A_160 : vector<16xf32>
      scf.yield %max3A : vector<16xf32>
    }
    %scan3A_56 = arith.constant 1000 : i32
    %sub3A_57 = arith.subf %get3A_50, %scan3A_55 : vector<16xf32>
    %exp3A_58 = math.exp %sub3A_57 : vector<16xf32>
    %scan3A_59 = arith.constant 0 : i32
    %scan3A_60 = arith.constant 1000 : i32
    %scan3A_61 = arith.addi %scan3A_59, %scan3A_60 : i32
    %scan3A_62 = arith.constant 1 : i32
    %scan3A_63 = scf.for %scan3A_154 = %scan3A_59 to %scan3A_61 step %scan3A_62 iter_args(%scan3A_155 = %exp3A_58) -> (vector<16xf32>)  : i32 {
      %mul3A_156 = arith.constant 16 : i32
      %mul3A_157 = arith.muli %scan3A_154, %mul3A_156 : i32
      %get3A_158 = arith.index_cast %mul3A_157 : i32 to index
      %get3A_159 = tpu.vector_load %arg10[%get3A_158] {strides = array<i32>} : memref<16000xf32, #tpu.memory_space<vmem>>, vector<16xf32>,
      %get3A_160 = vector.shape_cast %get3A_159 : vector<16xf32> to vector<16xf32>
      %sub3A_161 = arith.subf %get3A_160, %scan3A_55 : vector<16xf32>
      %exp3A_162 = math.exp %sub3A_161 : vector<16xf32>
      %add3A_163 = arith.addf %scan3A_155, %exp3A_162 : vector<16xf32>
      scf.yield %add3A_163 : vector<16xf32>
    }
    %scan3A_64 = arith.constant 1000 : i32
    %sub3A_65 = arith.subf %scan3A_55, %get3A_50 : vector<16xf32>
    %swap3A_66 = arith.constant 0 : index
    %swap3A_67 = tpu.vector_load %arg11[%swap3A_66] {strides = array<i32>} : memref<16xf32, #tpu.memory_space<vmem>>, vector<16xf32>,
    %swap3A_68 = vector.shape_cast %swap3A_67 : vector<16xf32> to vector<16xf32>
    %swap3A_69 = vector.shape_cast %sub3A_65 : vector<16xf32> to vector<16xf32>
    tpu.vector_store %arg11[%swap3A_66], %swap3A_69 {strides = array<i32>} : memref<16xf32, #tpu.memory_space<vmem>>, vector<16xf32>,
    %swap3A_70 = arith.constant 0 : index
    %swap3A_71 = tpu.vector_load %arg12[%swap3A_70] {strides = array<i32>} : memref<16xf32, #tpu.memory_space<vmem>>, vector<16xf32>,
    %swap3A_72 = vector.shape_cast %swap3A_71 : vector<16xf32> to vector<16xf32>
    %swap3A_73 = vector.shape_cast %scan3A_63 : vector<16xf32> to vector<16xf32>
    tpu.vector_store %arg12[%swap3A_70], %swap3A_73 {strides = array<i32>} : memref<16xf32, #tpu.memory_space<vmem>>, vector<16xf32>,
    "tpu.region"() ({
      %run_scoped3A = tpu.sem_alloc : memref<!tpu.dma_semaphore, #tpu.memory_space<semaphore_mem>>
      %dma_start3A_154 = arith.constant 0 : i32
      %dma_start3A_155 = tpu.memref_slice %arg5[%add3A_37, %dma_start3A_154] : memref<128x16xf32, #tpu.memory_space<hbm>> -> memref<1x16xf32, #tpu.memory_space<hbm>>
      %dma_start3A_156 = tpu.memref_squeeze %dma_start3A_155 : memref<1x16xf32, #tpu.memory_space<hbm>> -> memref<16xf32, #tpu.memory_space<hbm>>
      %dma_start3A_157 = arith.constant 0 : i32
      %dma_start3A_158 = tpu.memref_slice %arg5[%add3A_37, %dma_start3A_157] : memref<128x16xf32, #tpu.memory_space<hbm>> -> memref<1x16xf32, #tpu.memory_space<hbm>>
      %dma_start3A_159 = tpu.memref_squeeze %dma_start3A_158 : memref<1x16xf32, #tpu.memory_space<hbm>> -> memref<16xf32, #tpu.memory_space<hbm>>
      tpu.enqueue_dma source(%arg11 : memref<16xf32, #tpu.memory_space<vmem>>) target(%dma_start3A_159 : memref<16xf32, #tpu.memory_space<hbm>>) target_semaphore(%run_scoped3A : memref<!tpu.dma_semaphore, #tpu.memory_space<semaphore_mem>>)
      %dma_wait3A_160 = arith.constant 0 : i32
      %dma_wait3A_161 = tpu.memref_slice %arg5[%add3A_37, %dma_wait3A_160] : memref<128x16xf32, #tpu.memory_space<hbm>> -> memref<1x16xf32, #tpu.memory_space<hbm>>
      %dma_wait3A_162 = tpu.memref_squeeze %dma_wait3A_161 : memref<1x16xf32, #tpu.memory_space<hbm>> -> memref<16xf32, #tpu.memory_space<hbm>>
      %dma_wait3A_163 = arith.constant 0 : i32
      %dma_wait3A_164 = tpu.memref_slice %arg5[%add3A_37, %dma_wait3A_163] : memref<128x16xf32, #tpu.memory_space<hbm>> -> memref<1x16xf32, #tpu.memory_space<hbm>>
      %dma_wait3A_165 = tpu.memref_squeeze %dma_wait3A_164 : memref<1x16xf32, #tpu.memory_space<hbm>> -> memref<16xf32, #tpu.memory_space<hbm>>
      tpu.wait_dma2 semaphore(%run_scoped3A : memref<!tpu.dma_semaphore, #tpu.memory_space<semaphore_mem>>) src(%arg11 : memref<16xf32, #tpu.memory_space<vmem>>) dst(%dma_wait3A_165 : memref<16xf32, #tpu.memory_space<hbm>>)
      tpu.yield
    }) : () -> ()
    "tpu.region"() ({
      %run_scoped3A = tpu.sem_alloc : memref<!tpu.dma_semaphore, #tpu.memory_space<semaphore_mem>>
      %dma_start3A_154 = arith.constant 0 : i32
      %dma_start3A_155 = tpu.memref_slice %arg6[%add3A_37, %dma_start3A_154] : memref<128x16xf32, #tpu.memory_space<hbm>> -> memref<1x16xf32, #tpu.memory_space<hbm>>
      %dma_start3A_156 = tpu.memref_squeeze %dma_start3A_155 : memref<1x16xf32, #tpu.memory_space<hbm>> -> memref<16xf32, #tpu.memory_space<hbm>>
      %dma_start3A_157 = arith.constant 0 : i32
      %dma_start3A_158 = tpu.memref_slice %arg6[%add3A_37, %dma_start3A_157] : memref<128x16xf32, #tpu.memory_space<hbm>> -> memref<1x16xf32, #tpu.memory_space<hbm>>
      %dma_start3A_159 = tpu.memref_squeeze %dma_start3A_158 : memref<1x16xf32, #tpu.memory_space<hbm>> -> memref<16xf32, #tpu.memory_space<hbm>>
      tpu.enqueue_dma source(%arg12 : memref<16xf32, #tpu.memory_space<vmem>>) target(%dma_start3A_159 : memref<16xf32, #tpu.memory_space<hbm>>) target_semaphore(%run_scoped3A : memref<!tpu.dma_semaphore, #tpu.memory_space<semaphore_mem>>)
      %dma_wait3A_160 = arith.constant 0 : i32
      %dma_wait3A_161 = tpu.memref_slice %arg6[%add3A_37, %dma_wait3A_160] : memref<128x16xf32, #tpu.memory_space<hbm>> -> memref<1x16xf32, #tpu.memory_space<hbm>>
      %dma_wait3A_162 = tpu.memref_squeeze %dma_wait3A_161 : memref<1x16xf32, #tpu.memory_space<hbm>> -> memref<16xf32, #tpu.memory_space<hbm>>
      %dma_wait3A_163 = arith.constant 0 : i32
      %dma_wait3A_164 = tpu.memref_slice %arg6[%add3A_37, %dma_wait3A_163] : memref<128x16xf32, #tpu.memory_space<hbm>> -> memref<1x16xf32, #tpu.memory_space<hbm>>
      %dma_wait3A_165 = tpu.memref_squeeze %dma_wait3A_164 : memref<1x16xf32, #tpu.memory_space<hbm>> -> memref<16xf32, #tpu.memory_space<hbm>>
      tpu.wait_dma2 semaphore(%run_scoped3A : memref<!tpu.dma_semaphore, #tpu.memory_space<semaphore_mem>>) src(%arg12 : memref<16xf32, #tpu.memory_space<vmem>>) dst(%dma_wait3A_165 : memref<16xf32, #tpu.memory_space<hbm>>)
      tpu.yield
    }) : () -> ()
    %mul3A_74 = arith.constant 4 : i32
    %mul3A_75 = arith.muli %add3A, %mul3A_74 : i32
    %add3A_76 = arith.constant 2 : i32
    %add3A_77 = arith.addi %mul3A_75, %add3A_76 : i32
    "tpu.region"() ({
      %run_scoped3A = tpu.sem_alloc : memref<!tpu.dma_semaphore, #tpu.memory_space<semaphore_mem>>
      %dma_start3A_154 = arith.constant 0 : i32
      %dma_start3A_155 = tpu.memref_slice %arg2[%add3A_77, %dma_start3A_154] : memref<128x16000xi32, #tpu.memory_space<hbm>> -> memref<1x16000xi32, #tpu.memory_space<hbm>>
      %dma_start3A_156 = tpu.memref_squeeze %dma_start3A_155 : memref<1x16000xi32, #tpu.memory_space<hbm>> -> memref<16000xi32, #tpu.memory_space<hbm>>
      %dma_start3A_157 = arith.constant 0 : i32
      %dma_start3A_158 = tpu.memref_slice %arg2[%add3A_77, %dma_start3A_157] : memref<128x16000xi32, #tpu.memory_space<hbm>> -> memref<1x16000xi32, #tpu.memory_space<hbm>>
      %dma_start3A_159 = tpu.memref_squeeze %dma_start3A_158 : memref<1x16000xi32, #tpu.memory_space<hbm>> -> memref<16000xi32, #tpu.memory_space<hbm>>
      tpu.enqueue_dma source(%dma_start3A_159 : memref<16000xi32, #tpu.memory_space<hbm>>) target(%arg7 : memref<16000xi32, #tpu.memory_space<vmem>>) target_semaphore(%run_scoped3A : memref<!tpu.dma_semaphore, #tpu.memory_space<semaphore_mem>>)
      %dma_wait3A_160 = arith.constant 0 : i32
      %dma_wait3A_161 = tpu.memref_slice %arg2[%add3A_77, %dma_wait3A_160] : memref<128x16000xi32, #tpu.memory_space<hbm>> -> memref<1x16000xi32, #tpu.memory_space<hbm>>
      %dma_wait3A_162 = tpu.memref_squeeze %dma_wait3A_161 : memref<1x16000xi32, #tpu.memory_space<hbm>> -> memref<16000xi32, #tpu.memory_space<hbm>>
      %dma_wait3A_163 = arith.constant 0 : i32
      %dma_wait3A_164 = tpu.memref_slice %arg2[%add3A_77, %dma_wait3A_163] : memref<128x16000xi32, #tpu.memory_space<hbm>> -> memref<1x16000xi32, #tpu.memory_space<hbm>>
      %dma_wait3A_165 = tpu.memref_squeeze %dma_wait3A_164 : memref<1x16000xi32, #tpu.memory_space<hbm>> -> memref<16000xi32, #tpu.memory_space<hbm>>
      tpu.wait_dma2 semaphore(%run_scoped3A : memref<!tpu.dma_semaphore, #tpu.memory_space<semaphore_mem>>) src(%dma_wait3A_165 : memref<16000xi32, #tpu.memory_space<hbm>>) dst(%arg7 : memref<16000xi32, #tpu.memory_space<vmem>>)
      tpu.yield
    }) : () -> ()
    %mul3A_78 = arith.constant 16 : i32
    %mul3A_79 = arith.muli %add3A_77, %mul3A_78 : i32
    "tpu.region"() ({
      %run_scoped3A = tpu.sem_alloc : memref<!tpu.dma_semaphore, #tpu.memory_space<semaphore_mem>>
      %dma_start3A_154 = tpu.memref_slice %arg3[%mul3A_79] : memref<2048xi32, #tpu.memory_space<hbm>> -> memref<16xi32, #tpu.memory_space<hbm>>
      %dma_start3A_155 = tpu.memref_slice %arg3[%mul3A_79] : memref<2048xi32, #tpu.memory_space<hbm>> -> memref<16xi32, #tpu.memory_space<hbm>>
      tpu.enqueue_dma source(%dma_start3A_155 : memref<16xi32, #tpu.memory_space<hbm>>) target(%arg8 : memref<16xi32, #tpu.memory_space<vmem>>) target_semaphore(%run_scoped3A : memref<!tpu.dma_semaphore, #tpu.memory_space<semaphore_mem>>)
      %dma_wait3A_156 = tpu.memref_slice %arg3[%mul3A_79] : memref<2048xi32, #tpu.memory_space<hbm>> -> memref<16xi32, #tpu.memory_space<hbm>>
      %dma_wait3A_157 = tpu.memref_slice %arg3[%mul3A_79] : memref<2048xi32, #tpu.memory_space<hbm>> -> memref<16xi32, #tpu.memory_space<hbm>>
      tpu.wait_dma2 semaphore(%run_scoped3A : memref<!tpu.dma_semaphore, #tpu.memory_space<semaphore_mem>>) src(%dma_wait3A_157 : memref<16xi32, #tpu.memory_space<hbm>>) dst(%arg8 : memref<16xi32, #tpu.memory_space<vmem>>)
      tpu.yield
    }) : () -> ()
    %dma_start3A_80 = arith.constant 0 : i32
    %dma_start3A_81 = tpu.memref_slice %arg4[%dma_start3A_80] : memref<65536000xf32, #tpu.memory_space<hbm>> -> memref<65536000xf32, #tpu.memory_space<hbm>>
    tpu.enqueue_indirect_dma source(%dma_start3A_81 : memref<65536000xf32, #tpu.memory_space<hbm>>) target(%arg9 : memref<16xf32, #tpu.memory_space<vmem>>) offsets(%arg8 : memref<16xi32, #tpu.memory_space<vmem>>) semaphore(%arg13 : memref<!tpu.dma_semaphore, #tpu.memory_space<semaphore_mem>>)
    %dma_wait3A_82 = arith.constant 0 : i32
    %dma_wait3A_83 = tpu.memref_slice %arg4[%dma_wait3A_82] : memref<65536000xf32, #tpu.memory_space<hbm>> -> memref<65536000xf32, #tpu.memory_space<hbm>>
    tpu.wait_indirect_dma semaphore(%arg13 : memref<!tpu.dma_semaphore, #tpu.memory_space<semaphore_mem>>) src(%dma_wait3A_83 : memref<65536000xf32, #tpu.memory_space<hbm>>) dst(%arg9 : memref<16xf32, #tpu.memory_space<vmem>>)
    %dma_start3A_84 = arith.constant 0 : i32
    %dma_start3A_85 = tpu.memref_slice %arg4[%dma_start3A_84] : memref<65536000xf32, #tpu.memory_space<hbm>> -> memref<65536000xf32, #tpu.memory_space<hbm>>
    tpu.enqueue_indirect_dma source(%dma_start3A_85 : memref<65536000xf32, #tpu.memory_space<hbm>>) target(%arg10 : memref<16000xf32, #tpu.memory_space<vmem>>) offsets(%arg7 : memref<16000xi32, #tpu.memory_space<vmem>>) semaphore(%arg13 : memref<!tpu.dma_semaphore, #tpu.memory_space<semaphore_mem>>)
    %dma_wait3A_86 = arith.constant 0 : i32
    %dma_wait3A_87 = tpu.memref_slice %arg4[%dma_wait3A_86] : memref<65536000xf32, #tpu.memory_space<hbm>> -> memref<65536000xf32, #tpu.memory_space<hbm>>
    tpu.wait_indirect_dma semaphore(%arg13 : memref<!tpu.dma_semaphore, #tpu.memory_space<semaphore_mem>>) src(%dma_wait3A_87 : memref<65536000xf32, #tpu.memory_space<hbm>>) dst(%arg10 : memref<16000xf32, #tpu.memory_space<vmem>>)
    %get3A_88 = arith.constant 0 : index
    %get3A_89 = tpu.vector_load %arg9[%get3A_88] {strides = array<i32>} : memref<16xf32, #tpu.memory_space<vmem>>, vector<16xf32>,
    %get3A_90 = vector.shape_cast %get3A_89 : vector<16xf32> to vector<16xf32>
    %scan3A_91 = arith.constant 0 : i32
    %scan3A_92 = arith.constant 1000 : i32
    %scan3A_93 = arith.addi %scan3A_91, %scan3A_92 : i32
    %scan3A_94 = arith.constant 1 : i32
    %scan3A_95 = scf.for %scan3A_154 = %scan3A_91 to %scan3A_93 step %scan3A_94 iter_args(%scan3A_155 = %get3A_90) -> (vector<16xf32>)  : i32 {
      %mul3A_156 = arith.constant 16 : i32
      %mul3A_157 = arith.muli %scan3A_154, %mul3A_156 : i32
      %get3A_158 = arith.index_cast %mul3A_157 : i32 to index
      %get3A_159 = tpu.vector_load %arg10[%get3A_158] {strides = array<i32>} : memref<16000xf32, #tpu.memory_space<vmem>>, vector<16xf32>,
      %get3A_160 = vector.shape_cast %get3A_159 : vector<16xf32> to vector<16xf32>
      %max3A = arith.maximumf %scan3A_155, %get3A_160 : vector<16xf32>
      scf.yield %max3A : vector<16xf32>
    }
    %scan3A_96 = arith.constant 1000 : i32
    %sub3A_97 = arith.subf %get3A_90, %scan3A_95 : vector<16xf32>
    %exp3A_98 = math.exp %sub3A_97 : vector<16xf32>
    %scan3A_99 = arith.constant 0 : i32
    %scan3A_100 = arith.constant 1000 : i32
    %scan3A_101 = arith.addi %scan3A_99, %scan3A_100 : i32
    %scan3A_102 = arith.constant 1 : i32
    %scan3A_103 = scf.for %scan3A_154 = %scan3A_99 to %scan3A_101 step %scan3A_102 iter_args(%scan3A_155 = %exp3A_98) -> (vector<16xf32>)  : i32 {
      %mul3A_156 = arith.constant 16 : i32
      %mul3A_157 = arith.muli %scan3A_154, %mul3A_156 : i32
      %get3A_158 = arith.index_cast %mul3A_157 : i32 to index
      %get3A_159 = tpu.vector_load %arg10[%get3A_158] {strides = array<i32>} : memref<16000xf32, #tpu.memory_space<vmem>>, vector<16xf32>,
      %get3A_160 = vector.shape_cast %get3A_159 : vector<16xf32> to vector<16xf32>
      %sub3A_161 = arith.subf %get3A_160, %scan3A_95 : vector<16xf32>
      %exp3A_162 = math.exp %sub3A_161 : vector<16xf32>
      %add3A_163 = arith.addf %scan3A_155, %exp3A_162 : vector<16xf32>
      scf.yield %add3A_163 : vector<16xf32>
    }
    %scan3A_104 = arith.constant 1000 : i32
    %sub3A_105 = arith.subf %scan3A_95, %get3A_90 : vector<16xf32>
    %swap3A_106 = arith.constant 0 : index
    %swap3A_107 = tpu.vector_load %arg11[%swap3A_106] {strides = array<i32>} : memref<16xf32, #tpu.memory_space<vmem>>, vector<16xf32>,
    %swap3A_108 = vector.shape_cast %swap3A_107 : vector<16xf32> to vector<16xf32>
    %swap3A_109 = vector.shape_cast %sub3A_105 : vector<16xf32> to vector<16xf32>
    tpu.vector_store %arg11[%swap3A_106], %swap3A_109 {strides = array<i32>} : memref<16xf32, #tpu.memory_space<vmem>>, vector<16xf32>,
    %swap3A_110 = arith.constant 0 : index
    %swap3A_111 = tpu.vector_load %arg12[%swap3A_110] {strides = array<i32>} : memref<16xf32, #tpu.memory_space<vmem>>, vector<16xf32>,
    %swap3A_112 = vector.shape_cast %swap3A_111 : vector<16xf32> to vector<16xf32>
    %swap3A_113 = vector.shape_cast %scan3A_103 : vector<16xf32> to vector<16xf32>
    tpu.vector_store %arg12[%swap3A_110], %swap3A_113 {strides = array<i32>} : memref<16xf32, #tpu.memory_space<vmem>>, vector<16xf32>,
    "tpu.region"() ({
      %run_scoped3A = tpu.sem_alloc : memref<!tpu.dma_semaphore, #tpu.memory_space<semaphore_mem>>
      %dma_start3A_154 = arith.constant 0 : i32
      %dma_start3A_155 = tpu.memref_slice %arg5[%add3A_77, %dma_start3A_154] : memref<128x16xf32, #tpu.memory_space<hbm>> -> memref<1x16xf32, #tpu.memory_space<hbm>>
      %dma_start3A_156 = tpu.memref_squeeze %dma_start3A_155 : memref<1x16xf32, #tpu.memory_space<hbm>> -> memref<16xf32, #tpu.memory_space<hbm>>
      %dma_start3A_157 = arith.constant 0 : i32
      %dma_start3A_158 = tpu.memref_slice %arg5[%add3A_77, %dma_start3A_157] : memref<128x16xf32, #tpu.memory_space<hbm>> -> memref<1x16xf32, #tpu.memory_space<hbm>>
      %dma_start3A_159 = tpu.memref_squeeze %dma_start3A_158 : memref<1x16xf32, #tpu.memory_space<hbm>> -> memref<16xf32, #tpu.memory_space<hbm>>
      tpu.enqueue_dma source(%arg11 : memref<16xf32, #tpu.memory_space<vmem>>) target(%dma_start3A_159 : memref<16xf32, #tpu.memory_space<hbm>>) target_semaphore(%run_scoped3A : memref<!tpu.dma_semaphore, #tpu.memory_space<semaphore_mem>>)
      %dma_wait3A_160 = arith.constant 0 : i32
      %dma_wait3A_161 = tpu.memref_slice %arg5[%add3A_77, %dma_wait3A_160] : memref<128x16xf32, #tpu.memory_space<hbm>> -> memref<1x16xf32, #tpu.memory_space<hbm>>
      %dma_wait3A_162 = tpu.memref_squeeze %dma_wait3A_161 : memref<1x16xf32, #tpu.memory_space<hbm>> -> memref<16xf32, #tpu.memory_space<hbm>>
      %dma_wait3A_163 = arith.constant 0 : i32
      %dma_wait3A_164 = tpu.memref_slice %arg5[%add3A_77, %dma_wait3A_163] : memref<128x16xf32, #tpu.memory_space<hbm>> -> memref<1x16xf32, #tpu.memory_space<hbm>>
      %dma_wait3A_165 = tpu.memref_squeeze %dma_wait3A_164 : memref<1x16xf32, #tpu.memory_space<hbm>> -> memref<16xf32, #tpu.memory_space<hbm>>
      tpu.wait_dma2 semaphore(%run_scoped3A : memref<!tpu.dma_semaphore, #tpu.memory_space<semaphore_mem>>) src(%arg11 : memref<16xf32, #tpu.memory_space<vmem>>) dst(%dma_wait3A_165 : memref<16xf32, #tpu.memory_space<hbm>>)
      tpu.yield
    }) : () -> ()
    "tpu.region"() ({
      %run_scoped3A = tpu.sem_alloc : memref<!tpu.dma_semaphore, #tpu.memory_space<semaphore_mem>>
      %dma_start3A_154 = arith.constant 0 : i32
      %dma_start3A_155 = tpu.memref_slice %arg6[%add3A_77, %dma_start3A_154] : memref<128x16xf32, #tpu.memory_space<hbm>> -> memref<1x16xf32, #tpu.memory_space<hbm>>
      %dma_start3A_156 = tpu.memref_squeeze %dma_start3A_155 : memref<1x16xf32, #tpu.memory_space<hbm>> -> memref<16xf32, #tpu.memory_space<hbm>>
      %dma_start3A_157 = arith.constant 0 : i32
      %dma_start3A_158 = tpu.memref_slice %arg6[%add3A_77, %dma_start3A_157] : memref<128x16xf32, #tpu.memory_space<hbm>> -> memref<1x16xf32, #tpu.memory_space<hbm>>
      %dma_start3A_159 = tpu.memref_squeeze %dma_start3A_158 : memref<1x16xf32, #tpu.memory_space<hbm>> -> memref<16xf32, #tpu.memory_space<hbm>>
      tpu.enqueue_dma source(%arg12 : memref<16xf32, #tpu.memory_space<vmem>>) target(%dma_start3A_159 : memref<16xf32, #tpu.memory_space<hbm>>) target_semaphore(%run_scoped3A : memref<!tpu.dma_semaphore, #tpu.memory_space<semaphore_mem>>)
      %dma_wait3A_160 = arith.constant 0 : i32
      %dma_wait3A_161 = tpu.memref_slice %arg6[%add3A_77, %dma_wait3A_160] : memref<128x16xf32, #tpu.memory_space<hbm>> -> memref<1x16xf32, #tpu.memory_space<hbm>>
      %dma_wait3A_162 = tpu.memref_squeeze %dma_wait3A_161 : memref<1x16xf32, #tpu.memory_space<hbm>> -> memref<16xf32, #tpu.memory_space<hbm>>
      %dma_wait3A_163 = arith.constant 0 : i32
      %dma_wait3A_164 = tpu.memref_slice %arg6[%add3A_77, %dma_wait3A_163] : memref<128x16xf32, #tpu.memory_space<hbm>> -> memref<1x16xf32, #tpu.memory_space<hbm>>
      %dma_wait3A_165 = tpu.memref_squeeze %dma_wait3A_164 : memref<1x16xf32, #tpu.memory_space<hbm>> -> memref<16xf32, #tpu.memory_space<hbm>>
      tpu.wait_dma2 semaphore(%run_scoped3A : memref<!tpu.dma_semaphore, #tpu.memory_space<semaphore_mem>>) src(%arg12 : memref<16xf32, #tpu.memory_space<vmem>>) dst(%dma_wait3A_165 : memref<16xf32, #tpu.memory_space<hbm>>)
      tpu.yield
    }) : () -> ()
    %mul3A_114 = arith.constant 4 : i32
    %mul3A_115 = arith.muli %add3A, %mul3A_114 : i32
    %add3A_116 = arith.constant 3 : i32
    %add3A_117 = arith.addi %mul3A_115, %add3A_116 : i32
    "tpu.region"() ({
      %run_scoped3A = tpu.sem_alloc : memref<!tpu.dma_semaphore, #tpu.memory_space<semaphore_mem>>
      %dma_start3A_154 = arith.constant 0 : i32
      %dma_start3A_155 = tpu.memref_slice %arg2[%add3A_117, %dma_start3A_154] : memref<128x16000xi32, #tpu.memory_space<hbm>> -> memref<1x16000xi32, #tpu.memory_space<hbm>>
      %dma_start3A_156 = tpu.memref_squeeze %dma_start3A_155 : memref<1x16000xi32, #tpu.memory_space<hbm>> -> memref<16000xi32, #tpu.memory_space<hbm>>
      %dma_start3A_157 = arith.constant 0 : i32
      %dma_start3A_158 = tpu.memref_slice %arg2[%add3A_117, %dma_start3A_157] : memref<128x16000xi32, #tpu.memory_space<hbm>> -> memref<1x16000xi32, #tpu.memory_space<hbm>>
      %dma_start3A_159 = tpu.memref_squeeze %dma_start3A_158 : memref<1x16000xi32, #tpu.memory_space<hbm>> -> memref<16000xi32, #tpu.memory_space<hbm>>
      tpu.enqueue_dma source(%dma_start3A_159 : memref<16000xi32, #tpu.memory_space<hbm>>) target(%arg7 : memref<16000xi32, #tpu.memory_space<vmem>>) target_semaphore(%run_scoped3A : memref<!tpu.dma_semaphore, #tpu.memory_space<semaphore_mem>>)
      %dma_wait3A_160 = arith.constant 0 : i32
      %dma_wait3A_161 = tpu.memref_slice %arg2[%add3A_117, %dma_wait3A_160] : memref<128x16000xi32, #tpu.memory_space<hbm>> -> memref<1x16000xi32, #tpu.memory_space<hbm>>
      %dma_wait3A_162 = tpu.memref_squeeze %dma_wait3A_161 : memref<1x16000xi32, #tpu.memory_space<hbm>> -> memref<16000xi32, #tpu.memory_space<hbm>>
      %dma_wait3A_163 = arith.constant 0 : i32
      %dma_wait3A_164 = tpu.memref_slice %arg2[%add3A_117, %dma_wait3A_163] : memref<128x16000xi32, #tpu.memory_space<hbm>> -> memref<1x16000xi32, #tpu.memory_space<hbm>>
      %dma_wait3A_165 = tpu.memref_squeeze %dma_wait3A_164 : memref<1x16000xi32, #tpu.memory_space<hbm>> -> memref<16000xi32, #tpu.memory_space<hbm>>
      tpu.wait_dma2 semaphore(%run_scoped3A : memref<!tpu.dma_semaphore, #tpu.memory_space<semaphore_mem>>) src(%dma_wait3A_165 : memref<16000xi32, #tpu.memory_space<hbm>>) dst(%arg7 : memref<16000xi32, #tpu.memory_space<vmem>>)
      tpu.yield
    }) : () -> ()
    %mul3A_118 = arith.constant 16 : i32
    %mul3A_119 = arith.muli %add3A_117, %mul3A_118 : i32
    "tpu.region"() ({
      %run_scoped3A = tpu.sem_alloc : memref<!tpu.dma_semaphore, #tpu.memory_space<semaphore_mem>>
      %dma_start3A_154 = tpu.memref_slice %arg3[%mul3A_119] : memref<2048xi32, #tpu.memory_space<hbm>> -> memref<16xi32, #tpu.memory_space<hbm>>
      %dma_start3A_155 = tpu.memref_slice %arg3[%mul3A_119] : memref<2048xi32, #tpu.memory_space<hbm>> -> memref<16xi32, #tpu.memory_space<hbm>>
      tpu.enqueue_dma source(%dma_start3A_155 : memref<16xi32, #tpu.memory_space<hbm>>) target(%arg8 : memref<16xi32, #tpu.memory_space<vmem>>) target_semaphore(%run_scoped3A : memref<!tpu.dma_semaphore, #tpu.memory_space<semaphore_mem>>)
      %dma_wait3A_156 = tpu.memref_slice %arg3[%mul3A_119] : memref<2048xi32, #tpu.memory_space<hbm>> -> memref<16xi32, #tpu.memory_space<hbm>>
      %dma_wait3A_157 = tpu.memref_slice %arg3[%mul3A_119] : memref<2048xi32, #tpu.memory_space<hbm>> -> memref<16xi32, #tpu.memory_space<hbm>>
      tpu.wait_dma2 semaphore(%run_scoped3A : memref<!tpu.dma_semaphore, #tpu.memory_space<semaphore_mem>>) src(%dma_wait3A_157 : memref<16xi32, #tpu.memory_space<hbm>>) dst(%arg8 : memref<16xi32, #tpu.memory_space<vmem>>)
      tpu.yield
    }) : () -> ()
    %dma_start3A_120 = arith.constant 0 : i32
    %dma_start3A_121 = tpu.memref_slice %arg4[%dma_start3A_120] : memref<65536000xf32, #tpu.memory_space<hbm>> -> memref<65536000xf32, #tpu.memory_space<hbm>>
    tpu.enqueue_indirect_dma source(%dma_start3A_121 : memref<65536000xf32, #tpu.memory_space<hbm>>) target(%arg9 : memref<16xf32, #tpu.memory_space<vmem>>) offsets(%arg8 : memref<16xi32, #tpu.memory_space<vmem>>) semaphore(%arg13 : memref<!tpu.dma_semaphore, #tpu.memory_space<semaphore_mem>>)
    %dma_wait3A_122 = arith.constant 0 : i32
    %dma_wait3A_123 = tpu.memref_slice %arg4[%dma_wait3A_122] : memref<65536000xf32, #tpu.memory_space<hbm>> -> memref<65536000xf32, #tpu.memory_space<hbm>>
    tpu.wait_indirect_dma semaphore(%arg13 : memref<!tpu.dma_semaphore, #tpu.memory_space<semaphore_mem>>) src(%dma_wait3A_123 : memref<65536000xf32, #tpu.memory_space<hbm>>) dst(%arg9 : memref<16xf32, #tpu.memory_space<vmem>>)
    %dma_start3A_124 = arith.constant 0 : i32
    %dma_start3A_125 = tpu.memref_slice %arg4[%dma_start3A_124] : memref<65536000xf32, #tpu.memory_space<hbm>> -> memref<65536000xf32, #tpu.memory_space<hbm>>
    tpu.enqueue_indirect_dma source(%dma_start3A_125 : memref<65536000xf32, #tpu.memory_space<hbm>>) target(%arg10 : memref<16000xf32, #tpu.memory_space<vmem>>) offsets(%arg7 : memref<16000xi32, #tpu.memory_space<vmem>>) semaphore(%arg13 : memref<!tpu.dma_semaphore, #tpu.memory_space<semaphore_mem>>)
    %dma_wait3A_126 = arith.constant 0 : i32
    %dma_wait3A_127 = tpu.memref_slice %arg4[%dma_wait3A_126] : memref<65536000xf32, #tpu.memory_space<hbm>> -> memref<65536000xf32, #tpu.memory_space<hbm>>
    tpu.wait_indirect_dma semaphore(%arg13 : memref<!tpu.dma_semaphore, #tpu.memory_space<semaphore_mem>>) src(%dma_wait3A_127 : memref<65536000xf32, #tpu.memory_space<hbm>>) dst(%arg10 : memref<16000xf32, #tpu.memory_space<vmem>>)
    %get3A_128 = arith.constant 0 : index
    %get3A_129 = tpu.vector_load %arg9[%get3A_128] {strides = array<i32>} : memref<16xf32, #tpu.memory_space<vmem>>, vector<16xf32>,
    %get3A_130 = vector.shape_cast %get3A_129 : vector<16xf32> to vector<16xf32>
    %scan3A_131 = arith.constant 0 : i32
    %scan3A_132 = arith.constant 1000 : i32
    %scan3A_133 = arith.addi %scan3A_131, %scan3A_132 : i32
    %scan3A_134 = arith.constant 1 : i32
    %scan3A_135 = scf.for %scan3A_154 = %scan3A_131 to %scan3A_133 step %scan3A_134 iter_args(%scan3A_155 = %get3A_130) -> (vector<16xf32>)  : i32 {
      %mul3A_156 = arith.constant 16 : i32
      %mul3A_157 = arith.muli %scan3A_154, %mul3A_156 : i32
      %get3A_158 = arith.index_cast %mul3A_157 : i32 to index
      %get3A_159 = tpu.vector_load %arg10[%get3A_158] {strides = array<i32>} : memref<16000xf32, #tpu.memory_space<vmem>>, vector<16xf32>,
      %get3A_160 = vector.shape_cast %get3A_159 : vector<16xf32> to vector<16xf32>
      %max3A = arith.maximumf %scan3A_155, %get3A_160 : vector<16xf32>
      scf.yield %max3A : vector<16xf32>
    }
    %scan3A_136 = arith.constant 1000 : i32
    %sub3A_137 = arith.subf %get3A_130, %scan3A_135 : vector<16xf32>
    %exp3A_138 = math.exp %sub3A_137 : vector<16xf32>
    %scan3A_139 = arith.constant 0 : i32
    %scan3A_140 = arith.constant 1000 : i32
    %scan3A_141 = arith.addi %scan3A_139, %scan3A_140 : i32
    %scan3A_142 = arith.constant 1 : i32
    %scan3A_143 = scf.for %scan3A_154 = %scan3A_139 to %scan3A_141 step %scan3A_142 iter_args(%scan3A_155 = %exp3A_138) -> (vector<16xf32>)  : i32 {
      %mul3A_156 = arith.constant 16 : i32
      %mul3A_157 = arith.muli %scan3A_154, %mul3A_156 : i32
      %get3A_158 = arith.index_cast %mul3A_157 : i32 to index
      %get3A_159 = tpu.vector_load %arg10[%get3A_158] {strides = array<i32>} : memref<16000xf32, #tpu.memory_space<vmem>>, vector<16xf32>,
      %get3A_160 = vector.shape_cast %get3A_159 : vector<16xf32> to vector<16xf32>
      %sub3A_161 = arith.subf %get3A_160, %scan3A_135 : vector<16xf32>
      %exp3A_162 = math.exp %sub3A_161 : vector<16xf32>
      %add3A_163 = arith.addf %scan3A_155, %exp3A_162 : vector<16xf32>
      scf.yield %add3A_163 : vector<16xf32>
    }
    %scan3A_144 = arith.constant 1000 : i32
    %sub3A_145 = arith.subf %scan3A_135, %get3A_130 : vector<16xf32>
    %swap3A_146 = arith.constant 0 : index
    %swap3A_147 = tpu.vector_load %arg11[%swap3A_146] {strides = array<i32>} : memref<16xf32, #tpu.memory_space<vmem>>, vector<16xf32>,
    %swap3A_148 = vector.shape_cast %swap3A_147 : vector<16xf32> to vector<16xf32>
    %swap3A_149 = vector.shape_cast %sub3A_145 : vector<16xf32> to vector<16xf32>
    tpu.vector_store %arg11[%swap3A_146], %swap3A_149 {strides = array<i32>} : memref<16xf32, #tpu.memory_space<vmem>>, vector<16xf32>,
    %swap3A_150 = arith.constant 0 : index
    %swap3A_151 = tpu.vector_load %arg12[%swap3A_150] {strides = array<i32>} : memref<16xf32, #tpu.memory_space<vmem>>, vector<16xf32>,
    %swap3A_152 = vector.shape_cast %swap3A_151 : vector<16xf32> to vector<16xf32>
    %swap3A_153 = vector.shape_cast %scan3A_143 : vector<16xf32> to vector<16xf32>
    tpu.vector_store %arg12[%swap3A_150], %swap3A_153 {strides = array<i32>} : memref<16xf32, #tpu.memory_space<vmem>>, vector<16xf32>,
    "tpu.region"() ({
      %run_scoped3A = tpu.sem_alloc : memref<!tpu.dma_semaphore, #tpu.memory_space<semaphore_mem>>
      %dma_start3A_154 = arith.constant 0 : i32
      %dma_start3A_155 = tpu.memref_slice %arg5[%add3A_117, %dma_start3A_154] : memref<128x16xf32, #tpu.memory_space<hbm>> -> memref<1x16xf32, #tpu.memory_space<hbm>>
      %dma_start3A_156 = tpu.memref_squeeze %dma_start3A_155 : memref<1x16xf32, #tpu.memory_space<hbm>> -> memref<16xf32, #tpu.memory_space<hbm>>
      %dma_start3A_157 = arith.constant 0 : i32
      %dma_start3A_158 = tpu.memref_slice %arg5[%add3A_117, %dma_start3A_157] : memref<128x16xf32, #tpu.memory_space<hbm>> -> memref<1x16xf32, #tpu.memory_space<hbm>>
      %dma_start3A_159 = tpu.memref_squeeze %dma_start3A_158 : memref<1x16xf32, #tpu.memory_space<hbm>> -> memref<16xf32, #tpu.memory_space<hbm>>
      tpu.enqueue_dma source(%arg11 : memref<16xf32, #tpu.memory_space<vmem>>) target(%dma_start3A_159 : memref<16xf32, #tpu.memory_space<hbm>>) target_semaphore(%run_scoped3A : memref<!tpu.dma_semaphore, #tpu.memory_space<semaphore_mem>>)
      %dma_wait3A_160 = arith.constant 0 : i32
      %dma_wait3A_161 = tpu.memref_slice %arg5[%add3A_117, %dma_wait3A_160] : memref<128x16xf32, #tpu.memory_space<hbm>> -> memref<1x16xf32, #tpu.memory_space<hbm>>
      %dma_wait3A_162 = tpu.memref_squeeze %dma_wait3A_161 : memref<1x16xf32, #tpu.memory_space<hbm>> -> memref<16xf32, #tpu.memory_space<hbm>>
      %dma_wait3A_163 = arith.constant 0 : i32
      %dma_wait3A_164 = tpu.memref_slice %arg5[%add3A_117, %dma_wait3A_163] : memref<128x16xf32, #tpu.memory_space<hbm>> -> memref<1x16xf32, #tpu.memory_space<hbm>>
      %dma_wait3A_165 = tpu.memref_squeeze %dma_wait3A_164 : memref<1x16xf32, #tpu.memory_space<hbm>> -> memref<16xf32, #tpu.memory_space<hbm>>
      tpu.wait_dma2 semaphore(%run_scoped3A : memref<!tpu.dma_semaphore, #tpu.memory_space<semaphore_mem>>) src(%arg11 : memref<16xf32, #tpu.memory_space<vmem>>) dst(%dma_wait3A_165 : memref<16xf32, #tpu.memory_space<hbm>>)
      tpu.yield
    }) : () -> ()
    "tpu.region"() ({
      %run_scoped3A = tpu.sem_alloc : memref<!tpu.dma_semaphore, #tpu.memory_space<semaphore_mem>>
      %dma_start3A_154 = arith.constant 0 : i32
      %dma_start3A_155 = tpu.memref_slice %arg6[%add3A_117, %dma_start3A_154] : memref<128x16xf32, #tpu.memory_space<hbm>> -> memref<1x16xf32, #tpu.memory_space<hbm>>
      %dma_start3A_156 = tpu.memref_squeeze %dma_start3A_155 : memref<1x16xf32, #tpu.memory_space<hbm>> -> memref<16xf32, #tpu.memory_space<hbm>>
      %dma_start3A_157 = arith.constant 0 : i32
      %dma_start3A_158 = tpu.memref_slice %arg6[%add3A_117, %dma_start3A_157] : memref<128x16xf32, #tpu.memory_space<hbm>> -> memref<1x16xf32, #tpu.memory_space<hbm>>
      %dma_start3A_159 = tpu.memref_squeeze %dma_start3A_158 : memref<1x16xf32, #tpu.memory_space<hbm>> -> memref<16xf32, #tpu.memory_space<hbm>>
      tpu.enqueue_dma source(%arg12 : memref<16xf32, #tpu.memory_space<vmem>>) target(%dma_start3A_159 : memref<16xf32, #tpu.memory_space<hbm>>) target_semaphore(%run_scoped3A : memref<!tpu.dma_semaphore, #tpu.memory_space<semaphore_mem>>)
      %dma_wait3A_160 = arith.constant 0 : i32
      %dma_wait3A_161 = tpu.memref_slice %arg6[%add3A_117, %dma_wait3A_160] : memref<128x16xf32, #tpu.memory_space<hbm>> -> memref<1x16xf32, #tpu.memory_space<hbm>>
      %dma_wait3A_162 = tpu.memref_squeeze %dma_wait3A_161 : memref<1x16xf32, #tpu.memory_space<hbm>> -> memref<16xf32, #tpu.memory_space<hbm>>
      %dma_wait3A_163 = arith.constant 0 : i32
      %dma_wait3A_164 = tpu.memref_slice %arg6[%add3A_117, %dma_wait3A_163] : memref<128x16xf32, #tpu.memory_space<hbm>> -> memref<1x16xf32, #tpu.memory_space<hbm>>
      %dma_wait3A_165 = tpu.memref_squeeze %dma_wait3A_164 : memref<1x16xf32, #tpu.memory_space<hbm>> -> memref<16xf32, #tpu.memory_space<hbm>>
      tpu.wait_dma2 semaphore(%run_scoped3A : memref<!tpu.dma_semaphore, #tpu.memory_space<semaphore_mem>>) src(%arg12 : memref<16xf32, #tpu.memory_space<vmem>>) dst(%dma_wait3A_165 : memref<16xf32, #tpu.memory_space<hbm>>)
      tpu.yield
    }) : () -> ()
    return
  }
}

module attributes {stable_mosaic.version = 14 : i64} {
  func.func @_finish_body(%arg0: memref<128x16xf32, #tpu.memory_space<vmem>>, %arg1: memref<128x16xf32, #tpu.memory_space<vmem>>, %arg2: memref<1x1xf32, #tpu.memory_space<smem>>) attributes {dimension_semantics = [], scalar_prefetch = 0 : i64, scratch_operands = 0 : i64, tpu.core_type = #tpu.core_type<tc>} {
    %get3A = arith.constant 0 : index
    %get3A_0 = arith.constant 0 : index
    %get3A_1 = vector.load %arg0[%get3A, %get3A_0] : memref<128x16xf32, #tpu.memory_space<vmem>>, vector<128x16xf32>
    %reduce_sum3A = vector.shape_cast %get3A_1 : vector<128x16xf32> to vector<1x128x16xf32>
    %reduce_sum3A_2 = arith.constant dense<0.000000e+00> : vector<1xf32>
    %reduce_sum3A_3 = vector.multi_reduction <add>, %reduce_sum3A, %reduce_sum3A_2 [1, 2] : vector<1x128x16xf32> to vector<1xf32>
    %reduce_sum3A_4 = vector.shape_cast %reduce_sum3A_3 : vector<1xf32> to vector<1x1x1xf32>
    %reduce_sum3A_5 = vector.extract %reduce_sum3A_4[0, 0, 0] : f32 from vector<1x1x1xf32>
    %get3A_6 = arith.constant 0 : index
    %get3A_7 = arith.constant 0 : index
    %get3A_8 = vector.load %arg1[%get3A_6, %get3A_7] : memref<128x16xf32, #tpu.memory_space<vmem>>, vector<128x16xf32>
    %log3A = math.log %get3A_8 : vector<128x16xf32>
    %reduce_sum3A_9 = vector.shape_cast %log3A : vector<128x16xf32> to vector<1x128x16xf32>
    %reduce_sum3A_10 = arith.constant dense<0.000000e+00> : vector<1xf32>
    %reduce_sum3A_11 = vector.multi_reduction <add>, %reduce_sum3A_9, %reduce_sum3A_10 [1, 2] : vector<1x128x16xf32> to vector<1xf32>
    %reduce_sum3A_12 = vector.shape_cast %reduce_sum3A_11 : vector<1xf32> to vector<1x1x1xf32>
    %reduce_sum3A_13 = vector.extract %reduce_sum3A_12[0, 0, 0] : f32 from vector<1x1x1xf32>
    %add3A = arith.addf %reduce_sum3A_5, %reduce_sum3A_13 : f32
    %div3A = arith.constant 2.048000e+03 : f32
    %div3A_14 = arith.divf %add3A, %div3A : f32
    %swap3A = arith.constant 0 : index
    %swap3A_15 = arith.constant 0 : index
    %swap3A_16 = memref.load %arg2[%swap3A, %swap3A_15] : memref<1x1xf32, #tpu.memory_space<smem>>
    memref.store %div3A_14, %arg2[%swap3A, %swap3A_15] : memref<1x1xf32, #tpu.memory_space<smem>>
    return
  }
}

</mosaic_0001>

<sc_bundles>
// kernel: kernel.4.cloned.1.call-start
scs
__scs_entry_jumppad:
0x0: {  	(pc) =	sbr.rel $0x88, $3  }
0x1: {  	(tag) =	ssettag $0x0;
	lr =	simm.s32 $0x1  }
0x2: {  	[smem:$0x3F9F] =	sst lr;
	_ =	strace $0xD0000000  }
0x3: {  	_ = 	snop  }
0x4: {  	_ = 	snop  }
0x5: {  	_ = 	snop  }
0x6: {  	_ = 	snop  }
0x7: {  	_ = 	snop  }
__scs_overlays_trampoline_lowered:
0x8: {  	[smem:$0x3FAE] =	sst s0  }
0x9: {  	[smem:$0x3FAF] =	sst s1  }
0xa: {  	[smem:$0x3FB0] =	sst s2  }
0xb: {  	[smem:$0x3FB1] =	sst s3  }
0xc: {  	[smem:$0x3FB2] =	sst s4  }
0xd: {  	[smem:$0x3FB3] =	sst s5  }
0xe: {  	[smem:$0x3FB4] =	sst s6  }
0xf: {  	[smem:$0x3FB5] =	sst s7  }
0x10: {  	[smem:$0x3FB6] =	sst s8  }
0x11: {  	[smem:$0x3FB7] =	sst s9;
	s0 =	simm.s32 @!p0 $0x0  }
0x12: {  	s1 =	sld [smem:$0x3F9D];
	s0 =	simm.s32 @p0 $0x1  }
0x13: {  	[smem:$0x3FB8] =	sst s0;
	s0 =	simm.s32 @!p1 $0x0  }
0x14: {  	s2 =	sld [smem:$0x3F9C];
	s0 =	simm.s32 @p1 $0x1  }
0x15: {  	[smem:$0x3FB9] =	sst s0;
	s0 =	simm.s32 @!p2 $0x0  }
0x16: {  	s3 =	sld [smem:$0x3FDB];
	s0 =	simm.s32 @p2 $0x1  }
0x17: {  	s4 =	simm.s32 $0x1BF5;
	[smem:$0x3FBB] =	sst s0  }
0x18: {  	s0 =	sld [smem:$0x3F9E];
	_ =	swait.ge [sflag:s4], $0x0  }
0x19: {  	s7 =	sld [smem:$0x3F9F]  }
0x1a: {  	s8 =	sadd.s32 $0xFFFFE003, lr  }
0x1b: {  	s9 =	sadd.s32 $0xFFFFFEF7, lr;
	s5 =	simm.s32 $0xFFFFFFFF;
	p2 =	slt.u32 s8, $0xFFFFF086  }
0x1c: {  	p1 =	slt.u32 s9, $0xF7A;
	s5 =	simm.s32 @!p2 $0x0  }
0x1d: {  	s5 =	simm.s32 @p1 $0x1;
	p0 =	seq.s32 s7, s2  }
0x1e: {  	s7 =	smul.u32 @!p0 $0xF7A, s2;
	p2 =	seq.s32 @!p0 s5, $0x0  }
0x1f: {  	s9 =	smul.u32 $0xF7A, s1;
	s8 =	simm.s32 @!p0 $0x1BF5;
	p2 =	por !p2, p0  }
0x20: {  	[sflag:s8] =	ssyncset.s32 @!p0 $0xFFFFF086;
	s6 =	sadd.s32 @!p0 s3, s7;
	s7 =	simm.s32 @!p0 $0x108  }
0x21: {  	s3 =	sadd.s32 s3, s9;
	s6 =	sadd.s32 @!p0 $0x88, s6;
	s7 =	simm.s32 @p2 $0x1082  }
0x22: {  	[simem:s7], [sflag:s8] =	dma.local @!p0 [hbm:s6], $0xF7A  }
0x23: {  	s9 =	sor.u32 $0xD0000000, s2;
	s6 =	simm.s32 $0x108;
	_ =	swait.ge @!p0 [sflag:s8], $0x0  }
0x24: {  	s3 =	sadd.s32 $0x88, s3;
	s6 =	simm.s32 @!p1 $0x1082;
	[sflag:s4] =	ssyncset.s32 $0xFFFFF086  }
0x25: {  	[simem:s6], [sflag:s4] =	dma.local [hbm:s3], $0xF7A  }
0x26: {  	[smem:$0x3F9F] =	sst s1;
	(tag) =	ssettag s2;
	_ =	strace s9  }
0x27: {  	s1 =	sld [smem:$0x3FAF]  }
0x28: {  	s2 =	sld [smem:$0x3FB0]  }
0x29: {  	s4 =	sld [smem:$0x3FB2]  }
0x2a: {  	p0 =	seq.s32 s5, $0x0;
	s5 =	sld [smem:$0x3FB3]  }
0x2b: {  	s6 =	sld [smem:$0x3FB4]  }
0x2c: {  	s7 =	sld [smem:$0x3FB5]  }
0x2d: {  	s3 =	simm.s32 $0x108;
	s8 =	sld [smem:$0x3FB6]  }
0x2e: {  	s3 =	simm.s32 @!p0 $0x1082;
	s9 =	sld [smem:$0x3FB7]  }
0x2f: {  	lr =	sadd.s32 s0, s3;
	s0 =	sld [smem:$0x3FAE]  }
0x30: {  	s3 =	sld [smem:$0x3FB1]  }
0x31: {  	[smem:$0x3FBA] =	sst s10  }
0x32: {  	s10 =	sld [smem:$0x3FB8];
	_ =	sdelay $0x3  }
0x33: {  	p0 =	seq.s32 s10, $0x1;
	s10 =	sld [smem:$0x3FBA];
	_ =	sdelay $0x3  }
0x34: {  	[smem:$0x3FBA] =	sst s10  }
0x35: {  	s10 =	sld [smem:$0x3FB9];
	_ =	sdelay $0x3  }
0x36: {  	p1 =	seq.s32 s10, $0x1;
	s10 =	sld [smem:$0x3FBA];
	_ =	sdelay $0x3  }
0x37: {  	[smem:$0x3FBA] =	sst s10  }
0x38: {  	s10 =	sld [smem:$0x3FBB]  }
0x39: {  	_ = 	snop;
	(pc) =	sbr.ind lr, $3  }
0x3a: {  	_ = 	snop  }
0x3b: {  	_ = 	snop  }
0x3c: {  	p2 =	seq.s32 s10, $0x1;
	s10 =	sld [smem:$0x3FBA]  }
0x3d: {  	_ =	shalt  }
0x3e: {  	_ =	shalt  }
0x3f: {  	_ =	shalt  }
0x40: {  	_ =	shalt  }
0x41: {  	_ =	shalt  }
0x42: {  	_ =	shalt  }
0x43: {  	_ =	shalt  }
0x44: {  	_ =	shalt  }
0x45: {  	_ =	shalt  }
0x46: {  	_ =	shalt  }
0x47: {  	_ =	shalt  }
0x48: {  	_ =	shalt  }
0x49: {  	_ =	shalt  }
0x4a: {  	_ =	shalt  }
0x4b: {  	_ =	shalt  }
0x4c: {  	_ =	shalt  }
0x4d: {  	_ =	shalt  }
0x4e: {  	_ =	shalt  }
0x4f: {  	_ =	shalt  }
0x50: {  	_ =	shalt  }
0x51: {  	_ =	shalt  }
0x52: {  	_ =	shalt  }
0x53: {  	_ =	shalt  }
0x54: {  	_ =	shalt  }
0x55: {  	_ =	shalt  }
0x56: {  	_ =	shalt  }
0x57: {  	_ =	shalt  }
0x58: {  	_ =	shalt  }
0x59: {  	_ =	shalt  }
0x5a: {  	_ =	shalt  }
0x5b: {  	_ =	shalt  }
0x5c: {  	_ =	shalt  }
0x5d: {  	_ =	shalt  }
0x5e: {  	_ =	shalt  }
0x5f: {  	_ =	shalt  }
0x60: {  	_ =	shalt  }
0x61: {  	_ =	shalt  }
0x62: {  	_ =	shalt  }
0x63: {  	_ =	shalt  }
0x64: {  	_ =	shalt  }
0x65: {  	_ =	shalt  }
0x66: {  	_ =	shalt  }
0x67: {  	_ =	shalt  }
0x68: {  	_ =	shalt  }
0x69: {  	_ =	shalt  }
0x6a: {  	_ =	shalt  }
0x6b: {  	_ =	shalt  }
0x6c: {  	_ =	shalt  }
0x6d: {  	_ =	shalt  }
0x6e: {  	_ =	shalt  }
0x6f: {  	_ =	shalt  }
0x70: {  	_ =	shalt  }
0x71: {  	_ =	shalt  }
0x72: {  	_ =	shalt  }
0x73: {  	_ =	shalt  }
0x74: {  	_ =	shalt  }
0x75: {  	_ =	shalt  }
0x76: {  	_ =	shalt  }
0x77: {  	_ =	shalt  }
0x78: {  	_ =	shalt  }
0x79: {  	_ =	shalt  }
0x7a: {  	_ =	shalt  }
0x7b: {  	_ =	shalt  }
0x7c: {  	_ =	shalt  }
0x7d: {  	_ =	shalt  }
0x7e: {  	_ =	shalt  }
0x7f: {  	_ =	shalt  }
0x80: {  	_ =	shalt  }
0x81: {  	_ =	shalt  }
0x82: {  	_ =	shalt  }
0x83: {  	_ =	shalt  }
0x84: {  	_ =	shalt  }
0x85: {  	_ =	shalt  }
0x86: {  	_ =	shalt  }
0x87: {  	_ =	shalt  }
.Lfunc_end0:
.L_simem_size_0:
called_computation_lowered:
.L_overlay_start_0:
0x88: {  	s2 =	sld [smem:$0x3FD9]  }
0x89: {  	s3 =	sld [smem:$0x3FFE];
	_ =	sdelay $0x1  }
0x8a: {  	s1 =	srdreg.scid  }
0x8b: {  	s0 =	sand.u32 $0x1, s1  }
0x8c: {  	s16 =	sshll.u32 s0, $0xA;
	s2 =	sadd.s32 s3, s2  }
0x8d: {  	s2 =	sadd.s32 s2, s16  }
0x8e: {  	[smem:$0x3FC6] =	sst s2  }
0x8f: {  	_ = 	snop  }
0x90: {  	(tm) =	ssettm $0x1  }
0x91: {  	s17 =	sld [smem:$0x3FFB];
	_ =	sdelay $0x3  }
0x92: {  	_ =	strace s17  }
0x93: {  	s2 =	sld [smem:$0x3FFC];
	_ =	sdelay $0x3  }
0x94: {  	_ =	strace s2  }
0x95: {  	s2 =	sld [smem:$0x3FFD];
	_ =	sdelay $0x3  }
0x96: {  	_ =	strace s2  }
0x97: {  	_ =	strace $0x8FFFFFFF  }
0x98: {  	s18 =	sld [smem:$0x3FDB];
	_ =	sdelay $0x1  }
0x99: {  	s19 =	simm.s32 $_scs_section_size  }
0x9a: {  	s4 =	simm.s32 $_size__tile_overlayer_lowered;
	s5 =	simm.s32 $_tile_overlayer_lowered  }
0x9b: {  	s22 =	simm.s32 $0x1BFF;
	s21 =	sshll.u32 s5, $0x1;
	s2 =	sadd.s32 s19, s18  }
0x9c: {  	s6 =	simm.s32 $0x0;
	s20 =	sshll.u32 s4, $0x1;
	s4 =	sadd.s32 s21, s2  }
0x9d: {  	[timem:s6], [sflag:s22] =	dma.local [hbm:s4], s20  }
0x9e: {  	_ =	swait.ge [sflag:s22], s20  }
0x9f: {  	s3 =	ssub.s32 $0x0, s20;
	[sflag:s22] =	ssyncset.done $0x0  }
0xa0: {  	[sflag:s22] =	ssyncadd.s32 s3;
	_ =	sdelay $0x1  }
0xa1: {  	s23 =	simm.s32 $0x1B8B  }
0xa2: {  	_ =	swait.ge [sflag:s23], $0x1  }
0xa3: {  	[sflag:s23] =	ssyncset.done $0x0  }
0xa4: {  	s25 =	simm.s32 $0x1B8E;
	s24 =	sld [smem:$0x3FFE];
	[sflag:s23] =	ssyncadd.s32 $0xFFFFFFFF  }
0xa5: {  	s26 =	simm.s32 $execute0_lowered;
	[smem:$0x3FD2] =	sst s25  }
0xa6: {  	s4 =	sshll.u32 s26, $0x1;
	_ =	strace $0x80000046;
	[dreg:$0x1] =	wrdreg $0xFFFFFFFF  }
0xa7: {  	s28 =	simm.s32 $_size_execute0_lowered;
	s2 =	sadd.s32 s2, s4;
	[dreg:$0x0] =	wrdreg $0x0  }
0xa8: {  	s4 =	sshll.u32 s28, $0x1;
	[dreg:$0x2] =	wrdreg s2  }
0xa9: {  	[dreg:$0x3] =	wrdreg s4  }
0xaa: {  	[dreg:$0x4] =	wrdreg $0xC0  }
0xab: {  	_ =	task [dreg:s6], $0x5FFFF  }
0xac: {  	[dreg:$0x1] =	wrdreg $0xFFFFFFFF  }
0xad: {  	[dreg:$0x0] =	wrdreg $0x60  }
0xae: {  	[dreg:$0x2] =	wrdreg s24  }
0xaf: {  	[dreg:$0x3] =	wrdreg $0x9  }
0xb0: {  	_ =	task.clear_ibuf [dreg:s6], $0x4FFFF;
	_ =	strace $0x90000046  }
0xb1: {  	s29 =	simm.s32 $0x9;
	_ =	strace $0x80000048  }
0xb2: {  	_ =	swait.ge [sflag:s29], $0x1  }
0xb3: {  	[sflag:s29] =	ssyncadd.s32 $0xFFFFFFFF  }
0xb4: {  	_ =	strace $0x90000048  }
0xb5: {  	_ =	sfence  }
0xb6: {  	s30 =	sld [smem:$0x0];
	_ =	sdelay $0x2  }
0xb7: {  	s31 =	sshll.u32 s1, $0xD;
	s1 =	sshrl.u32 s1, $0x2  }
0xb8: {  	s3 =	sand.u32 $0x4000, s31;
	s1 =	sadd.s32 s1, s30  }
0xb9: {  	s0 =	sor.u32 s3, s0;
	s1 =	sshll.u32 s1, $0x11  }
0xba: {  	s0 =	sor.u32 s1, s0  }
0xbb: {  	s0 =	sadd.s32 $0x8F2B, s0  }
0xbc: {  	[sflag:s0] =	ssyncadd.remote.s32 $0x1  }
0xbd: {  	_ =	sfence.sel $0xFFFF  }
0xbe: {  	[dreg:$0x0] =	wrdreg $0xFFFFFFFF;
	(pc) =	sbr.abs _section_cstart, $3  }
0xbf: {  	[dreg:$0x1] =	wrdreg $0xFFFFFFFF  }
0xc0: {  	_ =	task.clear_ibuf [dreg:s6], $0x2FFFF;
	_ =	strace $0x9FFFFFFF  }
0xc1: {  	(tm) =	ssettm $0x7FFFFFFF  }
tec
execute0_lowered:
.L_overlay_start_1:
0x0: {  	(tag) =	ssettag $0x1  }
0x1: {  	s0 =	rddreg [dreg:$0x0]  }
0x2: {  	s1 =	simm.s32 $0x0;
	s4 =	srdreg.scid;
	s9 =	stileid.u32  }
0x3: {  	s28 =	simm.s32 $0x1;
	s29 =	simm.s32 $0x3F80;
	s30 =	simm.s32 $0x7E00  }
0x4: {  	s31 =	simm.s32 $0x7E80;
	[smem:$0x7FF] =	sst s1;
	s2 =	sadd.s32 $0x1E00, s0  }
0x5: {  	s17 =	sadd.s32 $0x1C00, s0;
	s3 =	sadd.s32 $0x40600, s0;
	s18 =	sadd.s32 $0x810600, s0  }
0x6: {  	s0 =	sadd.s32 $0x810E00, s0;
	s4 =	sand.u32 $0x1, s4;
	s6 =	sshll.u32 s9, $0x1  }
0x7: {  	s15 =	smul.u32 $0x1F400, s9;
	s16 =	sshll.u32 s9, $0xA;
	_ =	strace $0x80000047  }
0x8: {  	s5 =	ssub.s32 $0x2, s4;
	s12 =	sor.u32 s4, s6;
	s25 =	sshll.u32 s4, $0x9  }
0x9: {  	s7 =	sshrl.u32 s5, $0x1;
	s8 =	sshll.u32 s12, $0x2;
	s4 =	sor.u32 s25, s15  }
0xa: {  	s13 =	sor.u32 s25, s16;
	s19 =	sshll.u32 s12, $0x3;
	s20 =	ssub.s32 s5, s7  }
0xb: {  	s4 =	sshrl.u32 s4, $0x3;
	s26 =	sor.u32 $0x1, s8;
	s10 =	sshrl.u32 s13, $0x3  }
0xc: {  	s5 =	sadd.s32 s17, s19;
	s22 =	sor.u32 $0x2, s8;
	s4 =	sadd.s32 s2, s4  }
0xd: {  	s14 =	sshll.u32 s26, $0x7;
	s6 =	sadd.s32 s18, s10;
	s7 =	sadd.s32 s0, s10  }
0xe: {  	s25 =	sshll.u32 s22, $0x7;
	s9 =	sshll.u32 s26, $0x1;
	s20 =	smax.u32 s20, $0x1  }
0xf: {  	[dreg:$0x2] =	wrdreg s4;
	s11 =	sand.u32 $0x280, s14;
	s19 =	sand.u32 $0x300, s25  }
0x10: {  	s9 =	sadd.s32 s17, s9;
	s4 =	sshllo.u32 s12, $0x2;
	s13 =	sor.u32 s15, s11  }
0x11: {  	s24 =	sor.u32 s16, s11;
	s23 =	sor.u32 s16, s19;
	s21 =	sshrl.u32 s13, $0x3  }
0x12: {  	s14 =	sshrl.u32 s24, $0x3;
	s24 =	sshll.u32 s4, $0x7;
	s13 =	sshll.u32 s22, $0x1  }
0x13: {  	s22 =	sshrl.u32 s23, $0x3;
	s8 =	sadd.s32 s2, s21;
	s10 =	sadd.s32 s18, s14  }
0x14: {  	s21 =	sor.u32 s15, s19;
	s11 =	sadd.s32 s0, s14;
	s19 =	sand.u32 $0x380, s24  }
0x15: {  	s13 =	sadd.s32 s17, s13;
	s14 =	sadd.s32 s18, s22;
	s24 =	simm.s32 $0x3E80  }
0x16: {  	s26 =	sshrl.u32 s21, $0x3;
	s23 =	sor.u32 s15, s19;
	s15 =	sadd.s32 s0, s22  }
0x17: {  	s19 =	sor.u32 s16, s19;
	s21 =	simm.s32 $0x80;
	s22 =	simm.s32 $0x400  }
0x18: {  	s12 =	sadd.s32 s2, s26;
	s25 =	sshrl.u32 s23, $0x3;
	s26 =	sshll.u32 s4, $0x1  }
0x19: {  	s19 =	sshrl.u32 s19, $0x3;
	s23 =	simm.s32 $0x2;
	s16 =	sadd.s32 s2, s25  }
0x1a: {  	s17 =	sadd.s32 s17, s26;
	s18 =	sadd.s32 s18, s19;
	s19 =	sadd.s32 s0, s19  }
0x1b: {  	s25 =	simm.s32 $0x10;
	s26 =	simm.s32 $0x3F00;
	s0 =	simm.s32 $0x0  }
.LBB2_1:
0x1c: {  	s2 =	rddreg [dreg:$0x2]  }
0x1d: {  	[tilespmem:s1], [sflag:$0x2] =	stream.strided.gather [hbm4b:s2+s21], $0x3E80, s22, s21, $0x38;
	[tilespmem:$0x7F00] =	vst v63  }
0x1e: {  	_ =	swait.ge [sflag:s23], $0x3E80  }
0x1f: {  	[sflag:s23] =	ssyncset.done $0x0  }
0x20: {  	[sflag:s23] =	ssyncadd.s32 $0xFFFFC180  }
0x21: {  	[tilespmem:s24], [sflag:$0x2] =	stream.linear.gather [hbm4b:s5+s1], $0x10, $0x38;
	[tilespmem:$0x7F00] =	vst v63  }
0x22: {  	_ =	swait.ge [sflag:s23], $0x10  }
0x23: {  	[sflag:s23] =	ssyncset.done $0x0  }
0x24: {  	[sflag:s23] =	ssyncadd.s32 $0xFFFFFFF0  }
0x25: {  	[tilespmem:s26], [sflag:$0x1] =	stream.indirect.gather [hbm4b:s3+s25], $0x1, s24, s25, $0xb8;
	[tilespmem:$0x7F00] =	vst v63  }
0x26: {  	_ =	swait.ge [sflag:s28], $0x10  }
0x27: {  	[sflag:s28] =	ssyncset.done $0x0  }
0x28: {  	[sflag:s28] =	ssyncadd.s32 $0xFFFFFFF0  }
0x29: {  	[tilespmem:s29], [sflag:$0x1] =	stream.indirect.gather [hbm4b:s3+s24], $0x1, s1, s24, $0xb8;
	[tilespmem:$0x7F00] =	vst v63  }
0x2a: {  	_ =	swait.ge [sflag:s28], $0x3E80  }
0x2b: {  	[sflag:s28] =	ssyncset.done $0x0  }
0x2c: {  	[sflag:s28] =	ssyncadd.s32 $0xFFFFC180  }
0x2d: {  	v0 =	vld [tilespmem:$0x3F00];
	_ =	sdelay $0x3  }
0x2e: {  	s4 =	simm.s32 $0x0  }
0x2f: {  	s2 =	simm.s32 $0x40;
	v2 =	vld [tilespmem:s4+$0x3F80];
	v1 =	vmov v0  }
.LBB2_2:
0x30: {  	p0 =	sne.s32 s2, $0xF9C0  }
.Ltmp0:
0x31: {  	_ = 	snop;
	(pc) =	sbr.rel @p0 .LBB2_2-.Ltmp0, $3  }
0x32: {  	_ =	sdelay $0x1  }
0x33: {  	s4 =	sshra.s32 s2, $0x2;
	s2 =	sadd.s32 $0x40, s2;
	v1 =	vmax.f32 v1, v2  }
0x34: {  	v2 =	vld [tilespmem:s4+$0x3F80]  }
0x35: {  	_ =	sdelay $0x3  }
0x36: {  	v1 =	vmax.f32 v1, v2  }
0x37: {  	s2 =	simm.s32 $0x0;
	v2 =	vsub.f32 v0, v1  }
0x38: {  	v3 =	vld [tilespmem:s2+$0x3F80]  }
0x39: {  	v2 =	vmul.f32 $1.442695020e+00, v2  }
0x3a: {  	s4 =	simm.s32 $0x10  }
0x3b: {  	(erf) = vpow2.f32 v2;
	v2 =	vld [tilespmem:s4+$0x3F80];
	_ =	sdelay $0x1  }
0x3c: {  	v3 =	vsub.f32 v3, v1;
	_ =	sdelay $0x1  }
0x3d: {  	v3 =	vmul.f32 $1.442695020e+00, v3  }
0x3e: {  	v2 =	vsub.f32 v2, v1  }
0x3f: {  	(erf) = vpow2.f32 v3  }
0x40: {  	v4 =	vmul.f32 $1.442695020e+00, v2  }
0x41: {  	s4 =	simm.s32 $0x20  }
0x42: {  	v3 =	vld [tilespmem:s4+$0x3F80];
	v2 =	vpop (erf);
	(erf) = vpow2.f32 v4;
	_ =	sdelay $0x2  }
0x43: {  	s2 =	simm.s32 $0xC0  }
.LBB2_4:
0x44: {  	p0 =	sne.s32 s2, $0xF9C0  }
.Ltmp1:
0x45: {  	s4 =	sshra.s32 s2, $0x2;
	s2 =	sadd.s32 $0x40, s2;
	v4 =	vsub.f32 v3, v1;
	(pc) =	sbr.rel @p0 .LBB2_4-.Ltmp1, $3  }
0x46: {  	v3 =	vld [tilespmem:s4+$0x3F80];
	v5 =	vpop (erf)  }
0x47: {  	v4 =	vmul.f32 $1.442695020e+00, v4;
	v2 =	vadd.f32 v5, v2;
	_ =	sdelay $0x1  }
0x48: {  	(erf) = vpow2.f32 v4  }
0x49: {  	_ = 	snop  }
0x4a: {  	v3 =	vsub.f32 v3, v1;
	_ =	sdelay $0x1  }
0x4b: {  	v3 =	vmul.f32 $1.442695020e+00, v3;
	_ =	sdelay $0x1  }
0x4c: {  	(erf) = vpow2.f32 v3;
	_ =	sdelay $0x4  }
0x4d: {  	v3 =	vpop (erf)  }
0x4e: {  	v2 =	vadd.f32 v3, v2  }
0x4f: {  	v3 =	vpop (erf)  }
0x50: {  	v2 =	vadd.f32 v3, v2  }
0x51: {  	v0 =	vsub.f32 v1, v0;
	v3 =	vpop (erf)  }
0x52: {  	v1 =	vadd.f32 v3, v2  }
0x53: {  	[tilespmem:$0x7E00] =	vst v0  }
0x54: {  	s2 =	simm.s32 $0x0;
	[tilespmem:$0x7E80] =	vst v1  }
0x55: {  	[hbm4b:s6+s2] =	stream.linear.scatter [tilespmem:s30], [sflag:$0x2], $0x80, $0x38;
	[tilespmem:$0x7F00] =	vst v63  }
0x56: {  	_ =	swait.ge [sflag:s23], $0x80  }
0x57: {  	[sflag:s23] =	ssyncset.done $0x0  }
0x58: {  	[sflag:s23] =	ssyncadd.s32 $0xFFFFFF80  }
0x59: {  	[hbm4b:s7+s2] =	stream.linear.scatter [tilespmem:s31], [sflag:$0x2], $0x80, $0x38;
	[tilespmem:$0x7F00] =	vst v63  }
0x5a: {  	_ =	swait.ge [sflag:s23], $0x80  }
0x5b: {  	[sflag:s23] =	ssyncset.done $0x0  }
0x5c: {  	[sflag:s23] =	ssyncadd.s32 $0xFFFFFF80  }
0x5d: {  	[tilespmem:s2], [sflag:$0x2] =	stream.strided.gather [hbm4b:s8+s21], $0x3E80, s22, s21, $0x38;
	[tilespmem:$0x7F00] =	vst v63  }
0x5e: {  	_ =	swait.ge [sflag:s23], $0x3E80  }
0x5f: {  	[sflag:s23] =	ssyncset.done $0x0  }
0x60: {  	[sflag:s23] =	ssyncadd.s32 $0xFFFFC180  }
0x61: {  	[tilespmem:s24], [sflag:$0x2] =	stream.linear.gather [hbm4b:s9+s2], $0x10, $0x38;
	[tilespmem:$0x7F00] =	vst v63  }
0x62: {  	_ =	swait.ge [sflag:s23], $0x10  }
0x63: {  	[sflag:s23] =	ssyncset.done $0x0  }
0x64: {  	[sflag:s23] =	ssyncadd.s32 $0xFFFFFFF0  }
0x65: {  	[tilespmem:s26], [sflag:$0x1] =	stream.indirect.gather [hbm4b:s3+s25], $0x1, s24, s25, $0xb8;
	[tilespmem:$0x7F00] =	vst v63  }
0x66: {  	_ =	swait.ge [sflag:s28], $0x10  }
0x67: {  	[sflag:s28] =	ssyncset.done $0x0  }
0x68: {  	[sflag:s28] =	ssyncadd.s32 $0xFFFFFFF0  }
0x69: {  	[tilespmem:s29], [sflag:$0x1] =	stream.indirect.gather [hbm4b:s3+s24], $0x1, s2, s24, $0xb8;
	[tilespmem:$0x7F00] =	vst v63  }
0x6a: {  	_ =	swait.ge [sflag:s28], $0x3E80  }
0x6b: {  	[sflag:s28] =	ssyncset.done $0x0  }
0x6c: {  	[sflag:s28] =	ssyncadd.s32 $0xFFFFC180  }
0x6d: {  	v0 =	vld [tilespmem:$0x3F00];
	_ =	sdelay $0x3  }
0x6e: {  	s4 =	simm.s32 $0x0  }
0x6f: {  	s2 =	simm.s32 $0x40;
	v2 =	vld [tilespmem:s4+$0x3F80];
	v1 =	vmov v0  }
.LBB2_6:
0x70: {  	p0 =	sne.s32 s2, $0xF9C0  }
.Ltmp2:
0x71: {  	_ = 	snop;
	(pc) =	sbr.rel @p0 .LBB2_6-.Ltmp2, $3  }
0x72: {  	_ =	sdelay $0x1  }
0x73: {  	s4 =	sshra.s32 s2, $0x2;
	s2 =	sadd.s32 $0x40, s2;
	v1 =	vmax.f32 v1, v2  }
0x74: {  	v2 =	vld [tilespmem:s4+$0x3F80]  }
0x75: {  	_ =	sdelay $0x3  }
0x76: {  	v1 =	vmax.f32 v1, v2  }
0x77: {  	s2 =	simm.s32 $0x0;
	v2 =	vsub.f32 v0, v1  }
0x78: {  	v3 =	vld [tilespmem:s2+$0x3F80]  }
0x79: {  	v2 =	vmul.f32 $1.442695020e+00, v2  }
0x7a: {  	s4 =	simm.s32 $0x10  }
0x7b: {  	(erf) = vpow2.f32 v2;
	v2 =	vld [tilespmem:s4+$0x3F80];
	_ =	sdelay $0x1  }
0x7c: {  	v3 =	vsub.f32 v3, v1;
	_ =	sdelay $0x1  }
0x7d: {  	v3 =	vmul.f32 $1.442695020e+00, v3  }
0x7e: {  	v2 =	vsub.f32 v2, v1  }
0x7f: {  	(erf) = vpow2.f32 v3  }
0x80: {  	v4 =	vmul.f32 $1.442695020e+00, v2  }
0x81: {  	s4 =	simm.s32 $0x20  }
0x82: {  	v3 =	vld [tilespmem:s4+$0x3F80];
	v2 =	vpop (erf);
	(erf) = vpow2.f32 v4;
	_ =	sdelay $0x2  }
0x83: {  	s2 =	simm.s32 $0xC0  }
.LBB2_8:
0x84: {  	p0 =	sne.s32 s2, $0xF9C0  }
.Ltmp3:
0x85: {  	s4 =	sshra.s32 s2, $0x2;
	s2 =	sadd.s32 $0x40, s2;
	v4 =	vsub.f32 v3, v1;
	(pc) =	sbr.rel @p0 .LBB2_8-.Ltmp3, $3  }
0x86: {  	v3 =	vld [tilespmem:s4+$0x3F80];
	v5 =	vpop (erf)  }
0x87: {  	v4 =	vmul.f32 $1.442695020e+00, v4;
	v2 =	vadd.f32 v5, v2;
	_ =	sdelay $0x1  }
0x88: {  	(erf) = vpow2.f32 v4  }
0x89: {  	_ = 	snop  }
0x8a: {  	v3 =	vsub.f32 v3, v1;
	_ =	sdelay $0x1  }
0x8b: {  	v3 =	vmul.f32 $1.442695020e+00, v3;
	_ =	sdelay $0x1  }
0x8c: {  	(erf) = vpow2.f32 v3;
	_ =	sdelay $0x4  }
0x8d: {  	v3 =	vpop (erf)  }
0x8e: {  	v2 =	vadd.f32 v3, v2  }
0x8f: {  	v3 =	vpop (erf)  }
0x90: {  	v2 =	vadd.f32 v3, v2  }
0x91: {  	v0 =	vsub.f32 v1, v0;
	v3 =	vpop (erf)  }
0x92: {  	v1 =	vadd.f32 v3, v2  }
0x93: {  	[tilespmem:$0x7E00] =	vst v0  }
0x94: {  	s2 =	simm.s32 $0x0;
	[tilespmem:$0x7E80] =	vst v1  }
0x95: {  	[hbm4b:s10+s2] =	stream.linear.scatter [tilespmem:s30], [sflag:$0x2], $0x80, $0x38;
	[tilespmem:$0x7F00] =	vst v63  }
0x96: {  	_ =	swait.ge [sflag:s23], $0x80  }
0x97: {  	[sflag:s23] =	ssyncset.done $0x0  }
0x98: {  	[sflag:s23] =	ssyncadd.s32 $0xFFFFFF80  }
0x99: {  	[hbm4b:s11+s2] =	stream.linear.scatter [tilespmem:s31], [sflag:$0x2], $0x80, $0x38;
	[tilespmem:$0x7F00] =	vst v63  }
0x9a: {  	_ =	swait.ge [sflag:s23], $0x80  }
0x9b: {  	[sflag:s23] =	ssyncset.done $0x0  }
0x9c: {  	[sflag:s23] =	ssyncadd.s32 $0xFFFFFF80  }
0x9d: {  	[tilespmem:s2], [sflag:$0x2] =	stream.strided.gather [hbm4b:s12+s21], $0x3E80, s22, s21, $0x38;
	[tilespmem:$0x7F00] =	vst v63  }
0x9e: {  	_ =	swait.ge [sflag:s23], $0x3E80  }
0x9f: {  	[sflag:s23] =	ssyncset.done $0x0  }
0xa0: {  	[sflag:s23] =	ssyncadd.s32 $0xFFFFC180  }
0xa1: {  	[tilespmem:s24], [sflag:$0x2] =	stream.linear.gather [hbm4b:s13+s2], $0x10, $0x38;
	[tilespmem:$0x7F00] =	vst v63  }
0xa2: {  	_ =	swait.ge [sflag:s23], $0x10  }
0xa3: {  	[sflag:s23] =	ssyncset.done $0x0  }
0xa4: {  	[sflag:s23] =	ssyncadd.s32 $0xFFFFFFF0  }
0xa5: {  	[tilespmem:s26], [sflag:$0x1] =	stream.indirect.gather [hbm4b:s3+s25], $0x1, s24, s25, $0xb8;
	[tilespmem:$0x7F00] =	vst v63  }
0xa6: {  	_ =	swait.ge [sflag:s28], $0x10  }
0xa7: {  	[sflag:s28] =	ssyncset.done $0x0  }
0xa8: {  	[sflag:s28] =	ssyncadd.s32 $0xFFFFFFF0  }
0xa9: {  	[tilespmem:s29], [sflag:$0x1] =	stream.indirect.gather [hbm4b:s3+s24], $0x1, s2, s24, $0xb8;
	[tilespmem:$0x7F00] =	vst v63  }
0xaa: {  	_ =	swait.ge [sflag:s28], $0x3E80  }
0xab: {  	[sflag:s28] =	ssyncset.done $0x0  }
0xac: {  	[sflag:s28] =	ssyncadd.s32 $0xFFFFC180  }
0xad: {  	v0 =	vld [tilespmem:$0x3F00];
	_ =	sdelay $0x3  }
0xae: {  	s4 =	simm.s32 $0x0  }
0xaf: {  	s2 =	simm.s32 $0x40;
	v2 =	vld [tilespmem:s4+$0x3F80];
	v1 =	vmov v0  }
.LBB2_10:
0xb0: {  	p0 =	sne.s32 s2, $0xF9C0  }
.Ltmp4:
0xb1: {  	_ = 	snop;
	(pc) =	sbr.rel @p0 .LBB2_10-.Ltmp4, $3  }
0xb2: {  	_ =	sdelay $0x1  }
0xb3: {  	s4 =	sshra.s32 s2, $0x2;
	s2 =	sadd.s32 $0x40, s2;
	v1 =	vmax.f32 v1, v2  }
0xb4: {  	v2 =	vld [tilespmem:s4+$0x3F80]  }
0xb5: {  	_ =	sdelay $0x3  }
0xb6: {  	v1 =	vmax.f32 v1, v2  }
0xb7: {  	s2 =	simm.s32 $0x0;
	v2 =	vsub.f32 v0, v1  }
0xb8: {  	v3 =	vld [tilespmem:s2+$0x3F80]  }
0xb9: {  	v2 =	vmul.f32 $1.442695020e+00, v2  }
0xba: {  	s4 =	simm.s32 $0x10  }
0xbb: {  	(erf) = vpow2.f32 v2;
	v2 =	vld [tilespmem:s4+$0x3F80];
	_ =	sdelay $0x1  }
0xbc: {  	v3 =	vsub.f32 v3, v1;
	_ =	sdelay $0x1  }
0xbd: {  	v3 =	vmul.f32 $1.442695020e+00, v3  }
0xbe: {  	v2 =	vsub.f32 v2, v1  }
0xbf: {  	(erf) = vpow2.f32 v3  }
0xc0: {  	v4 =	vmul.f32 $1.442695020e+00, v2  }
0xc1: {  	s4 =	simm.s32 $0x20  }
0xc2: {  	v3 =	vld [tilespmem:s4+$0x3F80];
	v2 =	vpop (erf);
	(erf) = vpow2.f32 v4;
	_ =	sdelay $0x2  }
0xc3: {  	s2 =	simm.s32 $0xC0  }
.LBB2_12:
0xc4: {  	p0 =	sne.s32 s2, $0xF9C0  }
.Ltmp5:
0xc5: {  	s4 =	sshra.s32 s2, $0x2;
	s2 =	sadd.s32 $0x40, s2;
	v4 =	vsub.f32 v3, v1;
	(pc) =	sbr.rel @p0 .LBB2_12-.Ltmp5, $3  }
0xc6: {  	v3 =	vld [tilespmem:s4+$0x3F80];
	v5 =	vpop (erf)  }
0xc7: {  	v4 =	vmul.f32 $1.442695020e+00, v4;
	v2 =	vadd.f32 v5, v2;
	_ =	sdelay $0x1  }
0xc8: {  	(erf) = vpow2.f32 v4  }
0xc9: {  	_ = 	snop  }
0xca: {  	v3 =	vsub.f32 v3, v1;
	_ =	sdelay $0x1  }
0xcb: {  	v3 =	vmul.f32 $1.442695020e+00, v3;
	_ =	sdelay $0x1  }
0xcc: {  	(erf) = vpow2.f32 v3;
	_ =	sdelay $0x4  }
0xcd: {  	v3 =	vpop (erf)  }
0xce: {  	v2 =	vadd.f32 v3, v2  }
0xcf: {  	v3 =	vpop (erf)  }
0xd0: {  	v2 =	vadd.f32 v3, v2  }
0xd1: {  	v0 =	vsub.f32 v1, v0;
	v3 =	vpop (erf)  }
0xd2: {  	v1 =	vadd.f32 v3, v2  }
0xd3: {  	[tilespmem:$0x7E00] =	vst v0  }
0xd4: {  	s2 =	simm.s32 $0x0;
	[tilespmem:$0x7E80] =	vst v1  }
0xd5: {  	[hbm4b:s14+s2] =	stream.linear.scatter [tilespmem:s30], [sflag:$0x2], $0x80, $0x38;
	[tilespmem:$0x7F00] =	vst v63  }
0xd6: {  	_ =	swait.ge [sflag:s23], $0x80  }
0xd7: {  	[sflag:s23] =	ssyncset.done $0x0  }
0xd8: {  	[sflag:s23] =	ssyncadd.s32 $0xFFFFFF80  }
0xd9: {  	[hbm4b:s15+s2] =	stream.linear.scatter [tilespmem:s31], [sflag:$0x2], $0x80, $0x38;
	[tilespmem:$0x7F00] =	vst v63  }
0xda: {  	_ =	swait.ge [sflag:s23], $0x80  }
0xdb: {  	[sflag:s23] =	ssyncset.done $0x0  }
0xdc: {  	[sflag:s23] =	ssyncadd.s32 $0xFFFFFF80  }
0xdd: {  	[tilespmem:s2], [sflag:$0x2] =	stream.strided.gather [hbm4b:s16+s21], $0x3E80, s22, s21, $0x38;
	[tilespmem:$0x7F00] =	vst v63  }
0xde: {  	_ =	swait.ge [sflag:s23], $0x3E80  }
0xdf: {  	[sflag:s23] =	ssyncset.done $0x0  }
0xe0: {  	[sflag:s23] =	ssyncadd.s32 $0xFFFFC180  }
0xe1: {  	[tilespmem:s24], [sflag:$0x2] =	stream.linear.gather [hbm4b:s17+s2], $0x10, $0x38;
	[tilespmem:$0x7F00] =	vst v63  }
0xe2: {  	_ =	swait.ge [sflag:s23], $0x10  }
0xe3: {  	[sflag:s23] =	ssyncset.done $0x0  }
0xe4: {  	[sflag:s23] =	ssyncadd.s32 $0xFFFFFFF0  }
0xe5: {  	[tilespmem:s26], [sflag:$0x1] =	stream.indirect.gather [hbm4b:s3+s25], $0x1, s24, s25, $0xb8;
	[tilespmem:$0x7F00] =	vst v63  }
0xe6: {  	_ =	swait.ge [sflag:s28], $0x10  }
0xe7: {  	[sflag:s28] =	ssyncset.done $0x0  }
0xe8: {  	[sflag:s28] =	ssyncadd.s32 $0xFFFFFFF0  }
0xe9: {  	[tilespmem:s29], [sflag:$0x1] =	stream.indirect.gather [hbm4b:s3+s24], $0x1, s2, s24, $0xb8;
	[tilespmem:$0x7F00] =	vst v63  }
0xea: {  	_ =	swait.ge [sflag:s28], $0x3E80  }
0xeb: {  	[sflag:s28] =	ssyncset.done $0x0  }
0xec: {  	[sflag:s28] =	ssyncadd.s32 $0xFFFFC180  }
0xed: {  	v0 =	vld [tilespmem:$0x3F00];
	_ =	sdelay $0x3  }
0xee: {  	s4 =	simm.s32 $0x0  }
0xef: {  	s2 =	simm.s32 $0x40;
	v2 =	vld [tilespmem:s4+$0x3F80];
	v1 =	vmov v0  }
.LBB2_14:
0xf0: {  	p0 =	sne.s32 s2, $0xF9C0  }
.Ltmp6:
0xf1: {  	_ = 	snop;
	(pc) =	sbr.rel @p0 .LBB2_14-.Ltmp6, $3  }
0xf2: {  	_ =	sdelay $0x1  }
0xf3: {  	s4 =	sshra.s32 s2, $0x2;
	s2 =	sadd.s32 $0x40, s2;
	v1 =	vmax.f32 v1, v2  }
0xf4: {  	v2 =	vld [tilespmem:s4+$0x3F80]  }
0xf5: {  	_ =	sdelay $0x3  }
0xf6: {  	v1 =	vmax.f32 v1, v2  }
0xf7: {  	s2 =	simm.s32 $0x0;
	v2 =	vsub.f32 v0, v1  }
0xf8: {  	v3 =	vld [tilespmem:s2+$0x3F80]  }
0xf9: {  	v2 =	vmul.f32 $1.442695020e+00, v2  }
0xfa: {  	s4 =	simm.s32 $0x10  }
0xfb: {  	(erf) = vpow2.f32 v2;
	v2 =	vld [tilespmem:s4+$0x3F80];
	_ =	sdelay $0x1  }
0xfc: {  	v3 =	vsub.f32 v3, v1;
	_ =	sdelay $0x1  }
0xfd: {  	v3 =	vmul.f32 $1.442695020e+00, v3  }
0xfe: {  	v2 =	vsub.f32 v2, v1  }
0xff: {  	(erf) = vpow2.f32 v3  }
0x100: {  	v4 =	vmul.f32 $1.442695020e+00, v2  }
0x101: {  	s4 =	simm.s32 $0x20  }
0x102: {  	v3 =	vld [tilespmem:s4+$0x3F80];
	v2 =	vpop (erf);
	(erf) = vpow2.f32 v4;
	_ =	sdelay $0x2  }
0x103: {  	s2 =	simm.s32 $0xC0  }
.LBB2_16:
0x104: {  	p0 =	sne.s32 s2, $0xF9C0  }
.Ltmp7:
0x105: {  	s4 =	sshra.s32 s2, $0x2;
	s2 =	sadd.s32 $0x40, s2;
	v4 =	vsub.f32 v3, v1;
	(pc) =	sbr.rel @p0 .LBB2_16-.Ltmp7, $3  }
0x106: {  	v3 =	vld [tilespmem:s4+$0x3F80];
	v5 =	vpop (erf)  }
0x107: {  	v4 =	vmul.f32 $1.442695020e+00, v4;
	v2 =	vadd.f32 v5, v2;
	_ =	sdelay $0x1  }
0x108: {  	(erf) = vpow2.f32 v4  }
0x109: {  	_ = 	snop  }
0x10a: {  	v3 =	vsub.f32 v3, v1;
	_ =	sdelay $0x1  }
0x10b: {  	v3 =	vmul.f32 $1.442695020e+00, v3;
	_ =	sdelay $0x1  }
0x10c: {  	(erf) = vpow2.f32 v3;
	_ =	sdelay $0x4  }
0x10d: {  	v60 =	vpop (erf)  }
0x10e: {  	v2 =	vadd.f32 v60, v2  }
0x10f: {  	v61 =	vpop (erf)  }
0x110: {  	v2 =	vadd.f32 v61, v2  }
0x111: {  	v0 =	vsub.f32 v1, v0;
	v62 =	vpop (erf)  }
0x112: {  	v63 =	vadd.f32 v62, v2  }
0x113: {  	[tilespmem:$0x7E00] =	vst v0  }
0x114: {  	[tilespmem:$0x7E80] =	vst v63  }
0x115: {  	[hbm4b:s18+s1] =	stream.linear.scatter [tilespmem:s30], [sflag:$0x2], $0x80, $0x38;
	[tilespmem:$0x7F00] =	vst v63  }
0x116: {  	s0 =	sadd.s32 $0x1, s0;
	_ =	swait.ge [sflag:s23], $0x80  }
0x117: {  	p0 =	sne.s32 s0, s20;
	[sflag:s23] =	ssyncset.done $0x0  }
.Ltmp8:
0x118: {  	[sflag:s23] =	ssyncadd.s32 $0xFFFFFF80;
	(pc) =	sbr.rel @p0 .LBB2_1-.Ltmp8, $4  }
0x119: {  	[hbm4b:s19+s1] =	stream.linear.scatter [tilespmem:s31], [sflag:$0x2], $0x80, $0x38;
	[tilespmem:$0x7F00] =	vst v63  }
0x11a: {  	_ =	swait.ge [sflag:s23], $0x80  }
0x11b: {  	[sflag:s23] =	ssyncset.done $0x0  }
0x11c: {  	[sflag:s23] =	ssyncadd.s32 $0xFFFFFF80  }
0x11d: {  	_ =	sfence.sel $0x180000  }
0x11e: {  	[bflag:$0x0] =	sbarrier.arrive $0xFFFF  }
0x11f: {  	_ =	strace $0x90000047  }
0x120: {  	s0 =	stileid.u32;
	[bflag:$0x2] =	sbarrier.arrive $0xFFFF  }
0x121: {  	p0 =	sne.s32 s0, $0x0;
	s0 =	rddreg [dreg:$0x1]  }
0x122: {  	s0 =	sadd.s32 @!p0 $0x100000, s0  }
0x123: {  	[sflag:s0] =	ssyncadd.tile.s32 @!p0 $0x1;
	_ =	shalt  }
.Lfunc_end2:
_tile_overlayer_lowered:
.L_overlay_start_2:
0x124: {  	(tag) =	ssettag $0x2  }
0x125: {  	s0 =	rddreg [dreg:$0x0];
	s2 =	stileid.u32  }
0x126: {  	s1 =	rddreg [dreg:$0x1];
	p0 =	sne.s32 s2, $0x0  }
0x127: {  	s3 =	rddreg [dreg:$0x2];
	[bflag:$0x3] =	sbarrier.arrive $0xFFFF;
	s2 =	simm.s32 @!p0 $0x1C02  }
0x128: {  	[timem:s3], [sflag:s2] =	dma.local @!p0 [hbm:s0], s1  }
0x129: {  	s0 =	simm.s32 @!p0 $0x2  }
0x12a: {  	_ =	swait.ge @!p0 [sflag:s0], s1  }
0x12b: {  	s1 =	ssub.s32 @!p0 $0x0, s1;
	[sflag:s0] =	ssyncset.done @!p0 $0x0  }
0x12c: {  	[sflag:s0] =	ssyncadd.s32 @!p0 s1  }
0x12d: {  	[bflag:$0x3] =	sbarrier.arrive $0xFFFF  }
0x12e: {  	_ =	shalt  }

</sc_bundles>
